<compile_context>
chip_gen: v7x
topology: tpu7x:2x2x1
jax: 0.10.2.dev20260603
libtpu: 0.0.44.dev20260713+nightly
codegen_flags: <defaults>
</compile_context>

<pallas_src>
import functools

import jax
import jax.numpy as jnp
from jax import lax
from jax.experimental import pallas as pl
from jax.experimental.pallas import tpu as pltpu
from jax.experimental.pallas import tpu_sc as plsc

N_CLASSES = 100
D = 128
H = 256
B = 16384
HIST = 50
NV = D // 16
NBUF = 4


def _sc_sumsq(emb, x_pad):
    info = plsc.get_sparse_core_info()
    NC, NS = info.num_cores, info.num_subcores
    NW = NC * NS
    b_per_w = B // NW
    mesh = plsc.VectorSubcoreMesh(core_axis_name="c", subcore_axis_name="s")

    @functools.partial(
        pl.kernel,
        out_type=jax.ShapeDtypeStruct((B, D), jnp.float32),
        mesh=mesh,
        scratch_types=[
            pltpu.VMEM((b_per_w, 128), jnp.int32),
            pltpu.VMEM((HIST, D), jnp.float32),
            pltpu.VMEM((HIST, D), jnp.float32),
            pltpu.VMEM((HIST, D), jnp.float32),
            pltpu.VMEM((HIST, D), jnp.float32),
            pltpu.VMEM((64, D), jnp.float32),
            pltpu.SemaphoreType.DMA,
            pltpu.SemaphoreType.DMA,
            pltpu.SemaphoreType.DMA,
            pltpu.SemaphoreType.DMA,
        ],
        compiler_params=pltpu.CompilerParams(needs_layout_passes=False),
    )
    def k(emb_hbm, idx_hbm, out_hbm, idx_v, rows0, rows1, rows2, rows3,
          out_v, sem0, sem1, sem2, sem3):
        wid = lax.axis_index("s") * NC + lax.axis_index("c")
        rows = (rows0, rows1, rows2, rows3)
        sems = (sem0, sem1, sem2, sem3)
        pltpu.sync_copy(idx_hbm.at[pl.ds(wid * b_per_w, b_per_w)], idx_v)

        def gather_desc(c, b):
            return pltpu.make_async_copy(
                emb_hbm.at[idx_v.at[c, pl.ds(0, HIST)]],
                rows[b], sems[b])

        for p in range(NBUF):
            gather_desc(p, p).start()

        def chunk(c, b):
            gather_desc(c, b).wait()

            def body(r, accs, _b=b):
                vals = [rows[_b][r, pl.ds(v * 16, 16)] for v in range(NV)]
                return tuple(accs[v] + vals[v] * vals[v] for v in range(NV))

            zeros = tuple(jnp.zeros((16,), jnp.float32) for _ in range(NV))
            res = lax.fori_loop(0, HIST, body, zeros, unroll=2)
            orow = lax.rem(c, 64)
            for v in range(NV):
                out_v[orow, pl.ds(v * 16, 16)] = res[v]

            @pl.when(c + NBUF < b_per_w)
            def _():
                gather_desc(c + NBUF, b).start()

            @pl.when(lax.rem(c, 64) == 63)
            def _():
                base = pl.multiple_of(wid * b_per_w + c - 63, 64)
                pltpu.sync_copy(out_v, out_hbm.at[pl.ds(base, 64)])

        def loop_body(i, carry):
            for b in range(NBUF):
                chunk(i * NBUF + b, b)
            return carry

        lax.fori_loop(0, b_per_w // NBUF, loop_body, 0)

    return k(emb, x_pad)


def _tc_mlp(s, W_in, b_in, W_h, b_h, W_out_p, b_out_p):
    BLK = 4096

    def mlp(s_ref, wi, bi, wh, bh, wo, bo, o_ref):
        h = jnp.sqrt(s_ref[...] * float(D))
        h = jnp.maximum(
            jnp.dot(h, wi[...], preferred_element_type=jnp.float32) + bi[...],
            0.0)
        h = jnp.maximum(
            jnp.dot(h, wh[...], preferred_element_type=jnp.float32) + bh[...],
            0.0)
        o = jnp.dot(h, wo[...], preferred_element_type=jnp.float32) + bo[...]
        o_ref[...] = o[:, :N_CLASSES]

    return pl.pallas_call(
        mlp,
        grid=(B // BLK,),
        in_specs=[
            pl.BlockSpec((BLK, D), lambda i: (i, 0)),
            pl.BlockSpec((D, H), lambda i: (0, 0)),
            pl.BlockSpec((1, H), lambda i: (0, 0)),
            pl.BlockSpec((H, H), lambda i: (0, 0)),
            pl.BlockSpec((1, H), lambda i: (0, 0)),
            pl.BlockSpec((H, 128), lambda i: (0, 0)),
            pl.BlockSpec((1, 128), lambda i: (0, 0)),
        ],
        out_specs=pl.BlockSpec((BLK, N_CLASSES), lambda i: (i, 0)),
        out_shape=jax.ShapeDtypeStruct((B, N_CLASSES), jnp.float32),
    )(s, W_in, b_in.reshape(1, H), W_h, b_h.reshape(1, H),
      W_out_p, b_out_p)


def kernel(x, emb, W_in, b_in, W_h, b_h, W_out, b_out):
    x32 = x.astype(jnp.int32)
    x_pad = jnp.pad(x32, ((0, 0), (0, 128 - HIST)))
    s = _sc_sumsq(emb, x_pad)
    W_out_p = jnp.pad(W_out, ((0, 0), (0, 128 - N_CLASSES)))
    b_out_p = jnp.pad(b_out, (0, 128 - N_CLASSES)).reshape(1, 128)
    return _tc_mlp(s, W_in, b_in, W_h, b_h, W_out_p, b_out_p)

# --- scband reference (transcript-rebuilt; emitter-appended) ---
"""Pipeline reference for scband-noun-classifier-21320217657850 (READ-ONLY COPY).

The authoritative reference and input builder live on the scoring server;
editing this copy changes nothing except your own understanding.
"""

import jax, jax.numpy as jnp
import numpy as np
import math

N_TOKENS = 100000
N_CLASSES = 100
N_DIM = 128
N_HIDDEN = 256
BATCH = 16384
HIST = 50

def setup_inputs(seed: int = 0) -> dict:
    key = jax.random.key(seed)
    k1, k2, k3, k4, k5, k6, k7, k8 = jax.random.split(key, 8)
    x = jax.random.randint(k1, (BATCH, HIST), 0, N_TOKENS, dtype=jnp.int64 if jax.config.jax_enable_x64 else jnp.int32)
    emb = jax.random.normal(k2, (N_TOKENS, N_DIM), dtype=jnp.float32)
    W_in = jax.random.normal(k3, (N_DIM, N_HIDDEN), dtype=jnp.float32) * (1.0 / math.sqrt(N_DIM))
    b_in = jax.random.normal(k4, (N_HIDDEN,), dtype=jnp.float32) * 0.01
    W_h = jax.random.normal(k5, (N_HIDDEN, N_HIDDEN), dtype=jnp.float32) * (1.0 / math.sqrt(N_HIDDEN))
    b_h = jax.random.normal(k6, (N_HIDDEN,), dtype=jnp.float32) * 0.01
    W_out = jax.random.normal(k7, (N_HIDDEN, N_CLASSES), dtype=jnp.float32) * (1.0 / math.sqrt(N_HIDDEN))
    b_out = jax.random.normal(k8, (N_CLASSES,), dtype=jnp.float32) * 0.01
    return {"x": x, "emb": emb, "W_in": W_in, "b_in": b_in, "W_h": W_h, "b_h": b_h, "W_out": W_out, "b_out": b_out}

def reference(x, emb, W_in, b_in, W_h, b_h, W_out, b_out):
    # x: [B, L] int; embedding lookup -> [B, L, D], scaled by sqrt(n_dim)
    e = jnp.take(emb, x, axis=0) * math.sqrt(N_DIM)
    # L2 norm across the sequence (dim=1) -> [B, D]
    h = jnp.sqrt(jnp.sum(e ** 2, axis=1))
    h = jax.nn.relu(h @ W_in + b_in)
    h = jax.nn.relu(h @ W_h + b_h)
    out = h @ W_out + b_out
    return out

if __name__ == "__main__":
    import jax
    _d = setup_inputs()
    print(jax.jit(kernel)(*tuple(_d.values())))

</pallas_src>

<mosaic_0001>
#map = affine_map<(d0, d1) -> (0, 0)>
module attributes {stable_mosaic.version = 14 : i64} {
  func.func @k(%arg0: i32, %arg1: i32, %arg2: memref<100000x128xf32, #tpu.memory_space<hbm>>, %arg3: memref<16384x128xi32, #tpu.memory_space<hbm>>, %arg4: memref<16384x128xf32, #tpu.memory_space<hbm>>, %arg5: memref<512x128xi32, #tpu.memory_space<vmem>>, %arg6: memref<50x128xf32, #tpu.memory_space<vmem>>, %arg7: memref<50x128xf32, #tpu.memory_space<vmem>>, %arg8: memref<50x128xf32, #tpu.memory_space<vmem>>, %arg9: memref<50x128xf32, #tpu.memory_space<vmem>>, %arg10: memref<64x128xf32, #tpu.memory_space<vmem>>, %arg11: memref<!tpu.dma_semaphore, #tpu.memory_space<semaphore_mem>>, %arg12: memref<!tpu.dma_semaphore, #tpu.memory_space<semaphore_mem>>, %arg13: memref<!tpu.dma_semaphore, #tpu.memory_space<semaphore_mem>>, %arg14: memref<!tpu.dma_semaphore, #tpu.memory_space<semaphore_mem>>) attributes {dimension_semantics = [#tpu.dimension_semantics<core_parallel>, #tpu.dimension_semantics<subcore_parallel>], iteration_bounds = array<i64: 2, 16>, scalar_prefetch = 0 : i64, scratch_operands = 10 : i64, tpu.core_type = #tpu.core_type<sc_vector_subcore>, window_params = [{transform_indices = #map}, {transform_indices = #map}, {transform_indices = #map}]} {
    %mul3A = arith.constant 2 : i32
    %mul3A_0 = arith.muli %arg1, %mul3A : i32
    %add3A = arith.addi %mul3A_0, %arg0 : i32
    %mul3A_1 = arith.constant 512 : i32
    %mul3A_2 = arith.muli %add3A, %mul3A_1 : i32
    "tpu.region"() ({
      %run_scoped3A = tpu.sem_alloc : memref<!tpu.dma_semaphore, #tpu.memory_space<semaphore_mem>>
      %dma_start3A_35 = arith.constant 0 : i32
      %dma_start3A_36 = tpu.memref_slice %arg3[%mul3A_2, %dma_start3A_35] : memref<16384x128xi32, #tpu.memory_space<hbm>> -> memref<512x128xi32, #tpu.memory_space<hbm>>
      %dma_start3A_37 = arith.constant 0 : i32
      %dma_start3A_38 = tpu.memref_slice %arg3[%mul3A_2, %dma_start3A_37] : memref<16384x128xi32, #tpu.memory_space<hbm>> -> memref<512x128xi32, #tpu.memory_space<hbm>>
      tpu.enqueue_dma source(%dma_start3A_38 : memref<512x128xi32, #tpu.memory_space<hbm>>) target(%arg5 : memref<512x128xi32, #tpu.memory_space<vmem>>) target_semaphore(%run_scoped3A : memref<!tpu.dma_semaphore, #tpu.memory_space<semaphore_mem>>)
      %dma_wait3A = arith.constant 0 : i32
      %dma_wait3A_39 = tpu.memref_slice %arg3[%mul3A_2, %dma_wait3A] : memref<16384x128xi32, #tpu.memory_space<hbm>> -> memref<512x128xi32, #tpu.memory_space<hbm>>
      %dma_wait3A_40 = arith.constant 0 : i32
      %dma_wait3A_41 = tpu.memref_slice %arg3[%mul3A_2, %dma_wait3A_40] : memref<16384x128xi32, #tpu.memory_space<hbm>> -> memref<512x128xi32, #tpu.memory_space<hbm>>
      tpu.wait_dma2 semaphore(%run_scoped3A : memref<!tpu.dma_semaphore, #tpu.memory_space<semaphore_mem>>) src(%dma_wait3A_41 : memref<512x128xi32, #tpu.memory_space<hbm>>) dst(%arg5 : memref<512x128xi32, #tpu.memory_space<vmem>>)
      tpu.yield
    }) : () -> ()
    %dma_start3A = arith.constant 0 : i32
    %dma_start3A_3 = arith.constant 0 : i32
    %dma_start3A_4 = tpu.memref_slice %arg5[%dma_start3A, %dma_start3A_3] : memref<512x128xi32, #tpu.memory_space<vmem>> -> memref<1x50xi32, #tpu.memory_space<vmem>>
    %dma_start3A_5 = tpu.memref_squeeze %dma_start3A_4 : memref<1x50xi32, #tpu.memory_space<vmem>> -> memref<50xi32, #tpu.memory_space<vmem>>
    %dma_start3A_6 = arith.constant 0 : i32
    %dma_start3A_7 = arith.constant 0 : i32
    %dma_start3A_8 = tpu.memref_slice %arg2[%dma_start3A_6, %dma_start3A_7] : memref<100000x128xf32, #tpu.memory_space<hbm>> -> memref<100000x128xf32, #tpu.memory_space<hbm>>
    tpu.enqueue_indirect_dma source(%dma_start3A_8 : memref<100000x128xf32, #tpu.memory_space<hbm>>) target(%arg6 : memref<50x128xf32, #tpu.memory_space<vmem>>) offsets(%dma_start3A_5 : memref<50xi32, #tpu.memory_space<vmem>>) semaphore(%arg11 : memref<!tpu.dma_semaphore, #tpu.memory_space<semaphore_mem>>)
    %dma_start3A_9 = arith.constant 1 : i32
    %dma_start3A_10 = arith.constant 0 : i32
    %dma_start3A_11 = tpu.memref_slice %arg5[%dma_start3A_9, %dma_start3A_10] : memref<512x128xi32, #tpu.memory_space<vmem>> -> memref<1x50xi32, #tpu.memory_space<vmem>>
    %dma_start3A_12 = tpu.memref_squeeze %dma_start3A_11 : memref<1x50xi32, #tpu.memory_space<vmem>> -> memref<50xi32, #tpu.memory_space<vmem>>
    %dma_start3A_13 = arith.constant 0 : i32
    %dma_start3A_14 = arith.constant 0 : i32
    %dma_start3A_15 = tpu.memref_slice %arg2[%dma_start3A_13, %dma_start3A_14] : memref<100000x128xf32, #tpu.memory_space<hbm>> -> memref<100000x128xf32, #tpu.memory_space<hbm>>
    tpu.enqueue_indirect_dma source(%dma_start3A_15 : memref<100000x128xf32, #tpu.memory_space<hbm>>) target(%arg7 : memref<50x128xf32, #tpu.memory_space<vmem>>) offsets(%dma_start3A_12 : memref<50xi32, #tpu.memory_space<vmem>>) semaphore(%arg12 : memref<!tpu.dma_semaphore, #tpu.memory_space<semaphore_mem>>)
    %dma_start3A_16 = arith.constant 2 : i32
    %dma_start3A_17 = arith.constant 0 : i32
    %dma_start3A_18 = tpu.memref_slice %arg5[%dma_start3A_16, %dma_start3A_17] : memref<512x128xi32, #tpu.memory_space<vmem>> -> memref<1x50xi32, #tpu.memory_space<vmem>>
    %dma_start3A_19 = tpu.memref_squeeze %dma_start3A_18 : memref<1x50xi32, #tpu.memory_space<vmem>> -> memref<50xi32, #tpu.memory_space<vmem>>
    %dma_start3A_20 = arith.constant 0 : i32
    %dma_start3A_21 = arith.constant 0 : i32
    %dma_start3A_22 = tpu.memref_slice %arg2[%dma_start3A_20, %dma_start3A_21] : memref<100000x128xf32, #tpu.memory_space<hbm>> -> memref<100000x128xf32, #tpu.memory_space<hbm>>
    tpu.enqueue_indirect_dma source(%dma_start3A_22 : memref<100000x128xf32, #tpu.memory_space<hbm>>) target(%arg8 : memref<50x128xf32, #tpu.memory_space<vmem>>) offsets(%dma_start3A_19 : memref<50xi32, #tpu.memory_space<vmem>>) semaphore(%arg13 : memref<!tpu.dma_semaphore, #tpu.memory_space<semaphore_mem>>)
    %dma_start3A_23 = arith.constant 3 : i32
    %dma_start3A_24 = arith.constant 0 : i32
    %dma_start3A_25 = tpu.memref_slice %arg5[%dma_start3A_23, %dma_start3A_24] : memref<512x128xi32, #tpu.memory_space<vmem>> -> memref<1x50xi32, #tpu.memory_space<vmem>>
    %dma_start3A_26 = tpu.memref_squeeze %dma_start3A_25 : memref<1x50xi32, #tpu.memory_space<vmem>> -> memref<50xi32, #tpu.memory_space<vmem>>
    %dma_start3A_27 = arith.constant 0 : i32
    %dma_start3A_28 = arith.constant 0 : i32
    %dma_start3A_29 = tpu.memref_slice %arg2[%dma_start3A_27, %dma_start3A_28] : memref<100000x128xf32, #tpu.memory_space<hbm>> -> memref<100000x128xf32, #tpu.memory_space<hbm>>
    tpu.enqueue_indirect_dma source(%dma_start3A_29 : memref<100000x128xf32, #tpu.memory_space<hbm>>) target(%arg9 : memref<50x128xf32, #tpu.memory_space<vmem>>) offsets(%dma_start3A_26 : memref<50xi32, #tpu.memory_space<vmem>>) semaphore(%arg14 : memref<!tpu.dma_semaphore, #tpu.memory_space<semaphore_mem>>)
    %scan3A = arith.constant 0 : i32
    %scan3A_30 = arith.constant 0 : i32
    %scan3A_31 = arith.constant 128 : i32
    %scan3A_32 = arith.addi %scan3A_30, %scan3A_31 : i32
    %scan3A_33 = arith.constant 1 : i32
    scf.for %scan3A_35 = %scan3A_30 to %scan3A_32 step %scan3A_33  : i32 {
      %mul3A_36 = arith.constant 4 : i32
      %mul3A_37 = arith.muli %scan3A_35, %mul3A_36 : i32
      %add3A_38 = arith.constant 0 : i32
      %add3A_39 = arith.addi %mul3A_37, %add3A_38 : i32
      %dma_wait3A = arith.constant 0 : i32
      %dma_wait3A_40 = tpu.memref_slice %arg5[%add3A_39, %dma_wait3A] : memref<512x128xi32, #tpu.memory_space<vmem>> -> memref<1x50xi32, #tpu.memory_space<vmem>>
      %dma_wait3A_41 = tpu.memref_squeeze %dma_wait3A_40 : memref<1x50xi32, #tpu.memory_space<vmem>> -> memref<50xi32, #tpu.memory_space<vmem>>
      %dma_wait3A_42 = arith.constant 0 : i32
      %dma_wait3A_43 = arith.constant 0 : i32
      %dma_wait3A_44 = tpu.memref_slice %arg2[%dma_wait3A_42, %dma_wait3A_43] : memref<100000x128xf32, #tpu.memory_space<hbm>> -> memref<100000x128xf32, #tpu.memory_space<hbm>>
      tpu.wait_indirect_dma semaphore(%arg11 : memref<!tpu.dma_semaphore, #tpu.memory_space<semaphore_mem>>) src(%dma_wait3A_44 : memref<100000x128xf32, #tpu.memory_space<hbm>>) dst(%arg6 : memref<50x128xf32, #tpu.memory_space<vmem>>)
      %broadcast_in_dim3A = arith.constant 0.000000e+00 : f32
      %broadcast_in_dim3A_45 = vector.broadcast %broadcast_in_dim3A : f32 to vector<16xf32>
      %broadcast_in_dim3A_46 = arith.constant 0.000000e+00 : f32
      %broadcast_in_dim3A_47 = vector.broadcast %broadcast_in_dim3A_46 : f32 to vector<16xf32>
      %broadcast_in_dim3A_48 = arith.constant 0.000000e+00 : f32
      %broadcast_in_dim3A_49 = vector.broadcast %broadcast_in_dim3A_48 : f32 to vector<16xf32>
      %broadcast_in_dim3A_50 = arith.constant 0.000000e+00 : f32
      %broadcast_in_dim3A_51 = vector.broadcast %broadcast_in_dim3A_50 : f32 to vector<16xf32>
      %broadcast_in_dim3A_52 = arith.constant 0.000000e+00 : f32
      %broadcast_in_dim3A_53 = vector.broadcast %broadcast_in_dim3A_52 : f32 to vector<16xf32>
      %broadcast_in_dim3A_54 = arith.constant 0.000000e+00 : f32
      %broadcast_in_dim3A_55 = vector.broadcast %broadcast_in_dim3A_54 : f32 to vector<16xf32>
      %broadcast_in_dim3A_56 = arith.constant 0.000000e+00 : f32
      %broadcast_in_dim3A_57 = vector.broadcast %broadcast_in_dim3A_56 : f32 to vector<16xf32>
      %broadcast_in_dim3A_58 = arith.constant 0.000000e+00 : f32
      %broadcast_in_dim3A_59 = vector.broadcast %broadcast_in_dim3A_58 : f32 to vector<16xf32>
      %scan3A_60 = arith.constant 0 : i32
      %scan3A_61 = arith.constant 50 : i32
      %scan3A_62 = arith.addi %scan3A_60, %scan3A_61 : i32
      %scan3A_63 = arith.constant 2 : i32
      %scan3A_64:8 = scf.for %scan3A_316 = %scan3A_60 to %scan3A_62 step %scan3A_63 iter_args(%scan3A_317 = %broadcast_in_dim3A_45, %scan3A_318 = %broadcast_in_dim3A_47, %scan3A_319 = %broadcast_in_dim3A_49, %scan3A_320 = %broadcast_in_dim3A_51, %scan3A_321 = %broadcast_in_dim3A_53, %scan3A_322 = %broadcast_in_dim3A_55, %scan3A_323 = %broadcast_in_dim3A_57, %scan3A_324 = %broadcast_in_dim3A_59) -> (vector<16xf32>, vector<16xf32>, vector<16xf32>, vector<16xf32>, vector<16xf32>, vector<16xf32>, vector<16xf32>, vector<16xf32>)  : i32 {
        %get3A = arith.index_cast %scan3A_316 : i32 to index
        %get3A_325 = arith.constant 0 : index
        %get3A_326 = tpu.vector_load %arg6[%get3A, %get3A_325] {strides = array<i32>} : memref<50x128xf32, #tpu.memory_space<vmem>>, vector<16xf32>,
        %get3A_327 = arith.index_cast %scan3A_316 : i32 to index
        %get3A_328 = arith.constant 16 : index
        %get3A_329 = tpu.vector_load %arg6[%get3A_327, %get3A_328] {strides = array<i32>} : memref<50x128xf32, #tpu.memory_space<vmem>>, vector<16xf32>,
        %get3A_330 = arith.index_cast %scan3A_316 : i32 to index
        %get3A_331 = arith.constant 32 : index
        %get3A_332 = tpu.vector_load %arg6[%get3A_330, %get3A_331] {strides = array<i32>} : memref<50x128xf32, #tpu.memory_space<vmem>>, vector<16xf32>,
        %get3A_333 = arith.index_cast %scan3A_316 : i32 to index
        %get3A_334 = arith.constant 48 : index
        %get3A_335 = tpu.vector_load %arg6[%get3A_333, %get3A_334] {strides = array<i32>} : memref<50x128xf32, #tpu.memory_space<vmem>>, vector<16xf32>,
        %get3A_336 = arith.index_cast %scan3A_316 : i32 to index
        %get3A_337 = arith.constant 64 : index
        %get3A_338 = tpu.vector_load %arg6[%get3A_336, %get3A_337] {strides = array<i32>} : memref<50x128xf32, #tpu.memory_space<vmem>>, vector<16xf32>,
        %get3A_339 = arith.index_cast %scan3A_316 : i32 to index
        %get3A_340 = arith.constant 80 : index
        %get3A_341 = tpu.vector_load %arg6[%get3A_339, %get3A_340] {strides = array<i32>} : memref<50x128xf32, #tpu.memory_space<vmem>>, vector<16xf32>,
        %get3A_342 = arith.index_cast %scan3A_316 : i32 to index
        %get3A_343 = arith.constant 96 : index
        %get3A_344 = tpu.vector_load %arg6[%get3A_342, %get3A_343] {strides = array<i32>} : memref<50x128xf32, #tpu.memory_space<vmem>>, vector<16xf32>,
        %get3A_345 = arith.index_cast %scan3A_316 : i32 to index
        %get3A_346 = arith.constant 112 : index
        %get3A_347 = tpu.vector_load %arg6[%get3A_345, %get3A_346] {strides = array<i32>} : memref<50x128xf32, #tpu.memory_space<vmem>>, vector<16xf32>,
        %mul3A_348 = arith.mulf %get3A_326, %get3A_326 : vector<16xf32>
        %add3A_349 = arith.addf %scan3A_317, %mul3A_348 : vector<16xf32>
        %mul3A_350 = arith.mulf %get3A_329, %get3A_329 : vector<16xf32>
        %add3A_351 = arith.addf %scan3A_318, %mul3A_350 : vector<16xf32>
        %mul3A_352 = arith.mulf %get3A_332, %get3A_332 : vector<16xf32>
        %add3A_353 = arith.addf %scan3A_319, %mul3A_352 : vector<16xf32>
        %mul3A_354 = arith.mulf %get3A_335, %get3A_335 : vector<16xf32>
        %add3A_355 = arith.addf %scan3A_320, %mul3A_354 : vector<16xf32>
        %mul3A_356 = arith.mulf %get3A_338, %get3A_338 : vector<16xf32>
        %add3A_357 = arith.addf %scan3A_321, %mul3A_356 : vector<16xf32>
        %mul3A_358 = arith.mulf %get3A_341, %get3A_341 : vector<16xf32>
        %add3A_359 = arith.addf %scan3A_322, %mul3A_358 : vector<16xf32>
        %mul3A_360 = arith.mulf %get3A_344, %get3A_344 : vector<16xf32>
        %add3A_361 = arith.addf %scan3A_323, %mul3A_360 : vector<16xf32>
        %mul3A_362 = arith.mulf %get3A_347, %get3A_347 : vector<16xf32>
        %add3A_363 = arith.addf %scan3A_324, %mul3A_362 : vector<16xf32>
        %scan3A_364 = arith.constant 1 : i32
        %scan3A_365 = arith.addi %scan3A_316, %scan3A_364 : i32
        %get3A_366 = arith.index_cast %scan3A_365 : i32 to index
        %get3A_367 = arith.constant 0 : index
        %get3A_368 = tpu.vector_load %arg6[%get3A_366, %get3A_367] {strides = array<i32>} : memref<50x128xf32, #tpu.memory_space<vmem>>, vector<16xf32>,
        %get3A_369 = arith.index_cast %scan3A_365 : i32 to index
        %get3A_370 = arith.constant 16 : index
        %get3A_371 = tpu.vector_load %arg6[%get3A_369, %get3A_370] {strides = array<i32>} : memref<50x128xf32, #tpu.memory_space<vmem>>, vector<16xf32>,
        %get3A_372 = arith.index_cast %scan3A_365 : i32 to index
        %get3A_373 = arith.constant 32 : index
        %get3A_374 = tpu.vector_load %arg6[%get3A_372, %get3A_373] {strides = array<i32>} : memref<50x128xf32, #tpu.memory_space<vmem>>, vector<16xf32>,
        %get3A_375 = arith.index_cast %scan3A_365 : i32 to index
        %get3A_376 = arith.constant 48 : index
        %get3A_377 = tpu.vector_load %arg6[%get3A_375, %get3A_376] {strides = array<i32>} : memref<50x128xf32, #tpu.memory_space<vmem>>, vector<16xf32>,
        %get3A_378 = arith.index_cast %scan3A_365 : i32 to index
        %get3A_379 = arith.constant 64 : index
        %get3A_380 = tpu.vector_load %arg6[%get3A_378, %get3A_379] {strides = array<i32>} : memref<50x128xf32, #tpu.memory_space<vmem>>, vector<16xf32>,
        %get3A_381 = arith.index_cast %scan3A_365 : i32 to index
        %get3A_382 = arith.constant 80 : index
        %get3A_383 = tpu.vector_load %arg6[%get3A_381, %get3A_382] {strides = array<i32>} : memref<50x128xf32, #tpu.memory_space<vmem>>, vector<16xf32>,
        %get3A_384 = arith.index_cast %scan3A_365 : i32 to index
        %get3A_385 = arith.constant 96 : index
        %get3A_386 = tpu.vector_load %arg6[%get3A_384, %get3A_385] {strides = array<i32>} : memref<50x128xf32, #tpu.memory_space<vmem>>, vector<16xf32>,
        %get3A_387 = arith.index_cast %scan3A_365 : i32 to index
        %get3A_388 = arith.constant 112 : index
        %get3A_389 = tpu.vector_load %arg6[%get3A_387, %get3A_388] {strides = array<i32>} : memref<50x128xf32, #tpu.memory_space<vmem>>, vector<16xf32>,
        %mul3A_390 = arith.mulf %get3A_368, %get3A_368 : vector<16xf32>
        %add3A_391 = arith.addf %add3A_349, %mul3A_390 : vector<16xf32>
        %mul3A_392 = arith.mulf %get3A_371, %get3A_371 : vector<16xf32>
        %add3A_393 = arith.addf %add3A_351, %mul3A_392 : vector<16xf32>
        %mul3A_394 = arith.mulf %get3A_374, %get3A_374 : vector<16xf32>
        %add3A_395 = arith.addf %add3A_353, %mul3A_394 : vector<16xf32>
        %mul3A_396 = arith.mulf %get3A_377, %get3A_377 : vector<16xf32>
        %add3A_397 = arith.addf %add3A_355, %mul3A_396 : vector<16xf32>
        %mul3A_398 = arith.mulf %get3A_380, %get3A_380 : vector<16xf32>
        %add3A_399 = arith.addf %add3A_357, %mul3A_398 : vector<16xf32>
        %mul3A_400 = arith.mulf %get3A_383, %get3A_383 : vector<16xf32>
        %add3A_401 = arith.addf %add3A_359, %mul3A_400 : vector<16xf32>
        %mul3A_402 = arith.mulf %get3A_386, %get3A_386 : vector<16xf32>
        %add3A_403 = arith.addf %add3A_361, %mul3A_402 : vector<16xf32>
        %mul3A_404 = arith.mulf %get3A_389, %get3A_389 : vector<16xf32>
        %add3A_405 = arith.addf %add3A_363, %mul3A_404 : vector<16xf32>
        scf.yield %add3A_391, %add3A_393, %add3A_395, %add3A_397, %add3A_399, %add3A_401, %add3A_403, %add3A_405 : vector<16xf32>, vector<16xf32>, vector<16xf32>, vector<16xf32>, vector<16xf32>, vector<16xf32>, vector<16xf32>, vector<16xf32>
      }
      %scan3A_65 = arith.constant 50 : i32
      %rem3A = arith.constant 64 : i32
      %rem3A_66 = arith.remsi %add3A_39, %rem3A : i32
      %swap3A = arith.index_cast %rem3A_66 : i32 to index
      %swap3A_67 = arith.constant 0 : index
      %swap3A_68 = tpu.vector_load %arg10[%swap3A, %swap3A_67] {strides = array<i32>} : memref<64x128xf32, #tpu.memory_space<vmem>>, vector<16xf32>,
      tpu.vector_store %arg10[%swap3A, %swap3A_67], %scan3A_64#0 {strides = array<i32>} : memref<64x128xf32, #tpu.memory_space<vmem>>, vector<16xf32>,
      %swap3A_69 = arith.index_cast %rem3A_66 : i32 to index
      %swap3A_70 = arith.constant 16 : index
      %swap3A_71 = tpu.vector_load %arg10[%swap3A_69, %swap3A_70] {strides = array<i32>} : memref<64x128xf32, #tpu.memory_space<vmem>>, vector<16xf32>,
      tpu.vector_store %arg10[%swap3A_69, %swap3A_70], %scan3A_64#1 {strides = array<i32>} : memref<64x128xf32, #tpu.memory_space<vmem>>, vector<16xf32>,
      %swap3A_72 = arith.index_cast %rem3A_66 : i32 to index
      %swap3A_73 = arith.constant 32 : index
      %swap3A_74 = tpu.vector_load %arg10[%swap3A_72, %swap3A_73] {strides = array<i32>} : memref<64x128xf32, #tpu.memory_space<vmem>>, vector<16xf32>,
      tpu.vector_store %arg10[%swap3A_72, %swap3A_73], %scan3A_64#2 {strides = array<i32>} : memref<64x128xf32, #tpu.memory_space<vmem>>, vector<16xf32>,
      %swap3A_75 = arith.index_cast %rem3A_66 : i32 to index
      %swap3A_76 = arith.constant 48 : index
      %swap3A_77 = tpu.vector_load %arg10[%swap3A_75, %swap3A_76] {strides = array<i32>} : memref<64x128xf32, #tpu.memory_space<vmem>>, vector<16xf32>,
      tpu.vector_store %arg10[%swap3A_75, %swap3A_76], %scan3A_64#3 {strides = array<i32>} : memref<64x128xf32, #tpu.memory_space<vmem>>, vector<16xf32>,
      %swap3A_78 = arith.index_cast %rem3A_66 : i32 to index
      %swap3A_79 = arith.constant 64 : index
      %swap3A_80 = tpu.vector_load %arg10[%swap3A_78, %swap3A_79] {strides = array<i32>} : memref<64x128xf32, #tpu.memory_space<vmem>>, vector<16xf32>,
      tpu.vector_store %arg10[%swap3A_78, %swap3A_79], %scan3A_64#4 {strides = array<i32>} : memref<64x128xf32, #tpu.memory_space<vmem>>, vector<16xf32>,
      %swap3A_81 = arith.index_cast %rem3A_66 : i32 to index
      %swap3A_82 = arith.constant 80 : index
      %swap3A_83 = tpu.vector_load %arg10[%swap3A_81, %swap3A_82] {strides = array<i32>} : memref<64x128xf32, #tpu.memory_space<vmem>>, vector<16xf32>,
      tpu.vector_store %arg10[%swap3A_81, %swap3A_82], %scan3A_64#5 {strides = array<i32>} : memref<64x128xf32, #tpu.memory_space<vmem>>, vector<16xf32>,
      %swap3A_84 = arith.index_cast %rem3A_66 : i32 to index
      %swap3A_85 = arith.constant 96 : index
      %swap3A_86 = tpu.vector_load %arg10[%swap3A_84, %swap3A_85] {strides = array<i32>} : memref<64x128xf32, #tpu.memory_space<vmem>>, vector<16xf32>,
      tpu.vector_store %arg10[%swap3A_84, %swap3A_85], %scan3A_64#6 {strides = array<i32>} : memref<64x128xf32, #tpu.memory_space<vmem>>, vector<16xf32>,
      %swap3A_87 = arith.index_cast %rem3A_66 : i32 to index
      %swap3A_88 = arith.constant 112 : index
      %swap3A_89 = tpu.vector_load %arg10[%swap3A_87, %swap3A_88] {strides = array<i32>} : memref<64x128xf32, #tpu.memory_space<vmem>>, vector<16xf32>,
      tpu.vector_store %arg10[%swap3A_87, %swap3A_88], %scan3A_64#7 {strides = array<i32>} : memref<64x128xf32, #tpu.memory_space<vmem>>, vector<16xf32>,
      %add3A_90 = arith.constant 4 : i32
      %add3A_91 = arith.addi %add3A_39, %add3A_90 : i32
      %lt3A = arith.constant 512 : i32
      %lt3A_92 = arith.cmpi slt, %add3A_91, %lt3A : i32
      %convert_element_type3A = arith.extui %lt3A_92 : i1 to i32
      %cond3A = arith.constant 0 : i32
      %cond3A_93 = arith.cmpi ne, %convert_element_type3A, %cond3A : i32
      scf.if %cond3A_93 {
        %add3A_316 = arith.constant 4 : i32
        %add3A_317 = arith.addi %add3A_39, %add3A_316 : i32
        %dma_start3A_318 = arith.constant 0 : i32
        %dma_start3A_319 = tpu.memref_slice %arg5[%add3A_317, %dma_start3A_318] : memref<512x128xi32, #tpu.memory_space<vmem>> -> memref<1x50xi32, #tpu.memory_space<vmem>>
        %dma_start3A_320 = tpu.memref_squeeze %dma_start3A_319 : memref<1x50xi32, #tpu.memory_space<vmem>> -> memref<50xi32, #tpu.memory_space<vmem>>
        %dma_start3A_321 = arith.constant 0 : i32
        %dma_start3A_322 = arith.constant 0 : i32
        %dma_start3A_323 = tpu.memref_slice %arg2[%dma_start3A_321, %dma_start3A_322] : memref<100000x128xf32, #tpu.memory_space<hbm>> -> memref<100000x128xf32, #tpu.memory_space<hbm>>
        tpu.enqueue_indirect_dma source(%dma_start3A_323 : memref<100000x128xf32, #tpu.memory_space<hbm>>) target(%arg6 : memref<50x128xf32, #tpu.memory_space<vmem>>) offsets(%dma_start3A_320 : memref<50xi32, #tpu.memory_space<vmem>>) semaphore(%arg11 : memref<!tpu.dma_semaphore, #tpu.memory_space<semaphore_mem>>)
      } else {
      }
      %rem3A_94 = arith.constant 64 : i32
      %rem3A_95 = arith.remsi %add3A_39, %rem3A_94 : i32
      %eq3A = arith.constant 63 : i32
      %eq3A_96 = arith.cmpi eq, %rem3A_95, %eq3A : i32
      %convert_element_type3A_97 = arith.extui %eq3A_96 : i1 to i32
      %cond3A_98 = arith.constant 0 : i32
      %cond3A_99 = arith.cmpi ne, %convert_element_type3A_97, %cond3A_98 : i32
      scf.if %cond3A_99 {
        %mul3A_316 = arith.constant 512 : i32
        %mul3A_317 = arith.muli %add3A, %mul3A_316 : i32
        %add3A_318 = arith.addi %mul3A_317, %add3A_39 : i32
        %sub3A = arith.constant 63 : i32
        %sub3A_319 = arith.subi %add3A_318, %sub3A : i32
        %multiple_of3A = tpu.assume_multiple %sub3A_319, 64 : i32
        "tpu.region"() ({
          %run_scoped3A = tpu.sem_alloc : memref<!tpu.dma_semaphore, #tpu.memory_space<semaphore_mem>>
          %dma_start3A_320 = arith.constant 0 : i32
          %dma_start3A_321 = tpu.memref_slice %arg4[%multiple_of3A, %dma_start3A_320] : memref<16384x128xf32, #tpu.memory_space<hbm>> -> memref<64x128xf32, #tpu.memory_space<hbm>>
          %dma_start3A_322 = arith.constant 0 : i32
          %dma_start3A_323 = tpu.memref_slice %arg4[%multiple_of3A, %dma_start3A_322] : memref<16384x128xf32, #tpu.memory_space<hbm>> -> memref<64x128xf32, #tpu.memory_space<hbm>>
          tpu.enqueue_dma source(%arg10 : memref<64x128xf32, #tpu.memory_space<vmem>>) target(%dma_start3A_323 : memref<64x128xf32, #tpu.memory_space<hbm>>) target_semaphore(%run_scoped3A : memref<!tpu.dma_semaphore, #tpu.memory_space<semaphore_mem>>)
          %dma_wait3A_324 = arith.constant 0 : i32
          %dma_wait3A_325 = tpu.memref_slice %arg4[%multiple_of3A, %dma_wait3A_324] : memref<16384x128xf32, #tpu.memory_space<hbm>> -> memref<64x128xf32, #tpu.memory_space<hbm>>
          %dma_wait3A_326 = arith.constant 0 : i32
          %dma_wait3A_327 = tpu.memref_slice %arg4[%multiple_of3A, %dma_wait3A_326] : memref<16384x128xf32, #tpu.memory_space<hbm>> -> memref<64x128xf32, #tpu.memory_space<hbm>>
          tpu.wait_dma2 semaphore(%run_scoped3A : memref<!tpu.dma_semaphore, #tpu.memory_space<semaphore_mem>>) src(%arg10 : memref<64x128xf32, #tpu.memory_space<vmem>>) dst(%dma_wait3A_327 : memref<64x128xf32, #tpu.memory_space<hbm>>)
          tpu.yield
        }) : () -> ()
      } else {
      }
      %mul3A_100 = arith.constant 4 : i32
      %mul3A_101 = arith.muli %scan3A_35, %mul3A_100 : i32
      %add3A_102 = arith.constant 1 : i32
      %add3A_103 = arith.addi %mul3A_101, %add3A_102 : i32
      %dma_wait3A_104 = arith.constant 0 : i32
      %dma_wait3A_105 = tpu.memref_slice %arg5[%add3A_103, %dma_wait3A_104] : memref<512x128xi32, #tpu.memory_space<vmem>> -> memref<1x50xi32, #tpu.memory_space<vmem>>
      %dma_wait3A_106 = tpu.memref_squeeze %dma_wait3A_105 : memref<1x50xi32, #tpu.memory_space<vmem>> -> memref<50xi32, #tpu.memory_space<vmem>>
      %dma_wait3A_107 = arith.constant 0 : i32
      %dma_wait3A_108 = arith.constant 0 : i32
      %dma_wait3A_109 = tpu.memref_slice %arg2[%dma_wait3A_107, %dma_wait3A_108] : memref<100000x128xf32, #tpu.memory_space<hbm>> -> memref<100000x128xf32, #tpu.memory_space<hbm>>
      tpu.wait_indirect_dma semaphore(%arg12 : memref<!tpu.dma_semaphore, #tpu.memory_space<semaphore_mem>>) src(%dma_wait3A_109 : memref<100000x128xf32, #tpu.memory_space<hbm>>) dst(%arg7 : memref<50x128xf32, #tpu.memory_space<vmem>>)
      %broadcast_in_dim3A_110 = arith.constant 0.000000e+00 : f32
      %broadcast_in_dim3A_111 = vector.broadcast %broadcast_in_dim3A_110 : f32 to vector<16xf32>
      %broadcast_in_dim3A_112 = arith.constant 0.000000e+00 : f32
      %broadcast_in_dim3A_113 = vector.broadcast %broadcast_in_dim3A_112 : f32 to vector<16xf32>
      %broadcast_in_dim3A_114 = arith.constant 0.000000e+00 : f32
      %broadcast_in_dim3A_115 = vector.broadcast %broadcast_in_dim3A_114 : f32 to vector<16xf32>
      %broadcast_in_dim3A_116 = arith.constant 0.000000e+00 : f32
      %broadcast_in_dim3A_117 = vector.broadcast %broadcast_in_dim3A_116 : f32 to vector<16xf32>
      %broadcast_in_dim3A_118 = arith.constant 0.000000e+00 : f32
      %broadcast_in_dim3A_119 = vector.broadcast %broadcast_in_dim3A_118 : f32 to vector<16xf32>
      %broadcast_in_dim3A_120 = arith.constant 0.000000e+00 : f32
      %broadcast_in_dim3A_121 = vector.broadcast %broadcast_in_dim3A_120 : f32 to vector<16xf32>
      %broadcast_in_dim3A_122 = arith.constant 0.000000e+00 : f32
      %broadcast_in_dim3A_123 = vector.broadcast %broadcast_in_dim3A_122 : f32 to vector<16xf32>
      %broadcast_in_dim3A_124 = arith.constant 0.000000e+00 : f32
      %broadcast_in_dim3A_125 = vector.broadcast %broadcast_in_dim3A_124 : f32 to vector<16xf32>
      %scan3A_126 = arith.constant 0 : i32
      %scan3A_127 = arith.constant 50 : i32
      %scan3A_128 = arith.addi %scan3A_126, %scan3A_127 : i32
      %scan3A_129 = arith.constant 2 : i32
      %scan3A_130:8 = scf.for %scan3A_316 = %scan3A_126 to %scan3A_128 step %scan3A_129 iter_args(%scan3A_317 = %broadcast_in_dim3A_111, %scan3A_318 = %broadcast_in_dim3A_113, %scan3A_319 = %broadcast_in_dim3A_115, %scan3A_320 = %broadcast_in_dim3A_117, %scan3A_321 = %broadcast_in_dim3A_119, %scan3A_322 = %broadcast_in_dim3A_121, %scan3A_323 = %broadcast_in_dim3A_123, %scan3A_324 = %broadcast_in_dim3A_125) -> (vector<16xf32>, vector<16xf32>, vector<16xf32>, vector<16xf32>, vector<16xf32>, vector<16xf32>, vector<16xf32>, vector<16xf32>)  : i32 {
        %get3A = arith.index_cast %scan3A_316 : i32 to index
        %get3A_325 = arith.constant 0 : index
        %get3A_326 = tpu.vector_load %arg7[%get3A, %get3A_325] {strides = array<i32>} : memref<50x128xf32, #tpu.memory_space<vmem>>, vector<16xf32>,
        %get3A_327 = arith.index_cast %scan3A_316 : i32 to index
        %get3A_328 = arith.constant 16 : index
        %get3A_329 = tpu.vector_load %arg7[%get3A_327, %get3A_328] {strides = array<i32>} : memref<50x128xf32, #tpu.memory_space<vmem>>, vector<16xf32>,
        %get3A_330 = arith.index_cast %scan3A_316 : i32 to index
        %get3A_331 = arith.constant 32 : index
        %get3A_332 = tpu.vector_load %arg7[%get3A_330, %get3A_331] {strides = array<i32>} : memref<50x128xf32, #tpu.memory_space<vmem>>, vector<16xf32>,
        %get3A_333 = arith.index_cast %scan3A_316 : i32 to index
        %get3A_334 = arith.constant 48 : index
        %get3A_335 = tpu.vector_load %arg7[%get3A_333, %get3A_334] {strides = array<i32>} : memref<50x128xf32, #tpu.memory_space<vmem>>, vector<16xf32>,
        %get3A_336 = arith.index_cast %scan3A_316 : i32 to index
        %get3A_337 = arith.constant 64 : index
        %get3A_338 = tpu.vector_load %arg7[%get3A_336, %get3A_337] {strides = array<i32>} : memref<50x128xf32, #tpu.memory_space<vmem>>, vector<16xf32>,
        %get3A_339 = arith.index_cast %scan3A_316 : i32 to index
        %get3A_340 = arith.constant 80 : index
        %get3A_341 = tpu.vector_load %arg7[%get3A_339, %get3A_340] {strides = array<i32>} : memref<50x128xf32, #tpu.memory_space<vmem>>, vector<16xf32>,
        %get3A_342 = arith.index_cast %scan3A_316 : i32 to index
        %get3A_343 = arith.constant 96 : index
        %get3A_344 = tpu.vector_load %arg7[%get3A_342, %get3A_343] {strides = array<i32>} : memref<50x128xf32, #tpu.memory_space<vmem>>, vector<16xf32>,
        %get3A_345 = arith.index_cast %scan3A_316 : i32 to index
        %get3A_346 = arith.constant 112 : index
        %get3A_347 = tpu.vector_load %arg7[%get3A_345, %get3A_346] {strides = array<i32>} : memref<50x128xf32, #tpu.memory_space<vmem>>, vector<16xf32>,
        %mul3A_348 = arith.mulf %get3A_326, %get3A_326 : vector<16xf32>
        %add3A_349 = arith.addf %scan3A_317, %mul3A_348 : vector<16xf32>
        %mul3A_350 = arith.mulf %get3A_329, %get3A_329 : vector<16xf32>
        %add3A_351 = arith.addf %scan3A_318, %mul3A_350 : vector<16xf32>
        %mul3A_352 = arith.mulf %get3A_332, %get3A_332 : vector<16xf32>
        %add3A_353 = arith.addf %scan3A_319, %mul3A_352 : vector<16xf32>
        %mul3A_354 = arith.mulf %get3A_335, %get3A_335 : vector<16xf32>
        %add3A_355 = arith.addf %scan3A_320, %mul3A_354 : vector<16xf32>
        %mul3A_356 = arith.mulf %get3A_338, %get3A_338 : vector<16xf32>
        %add3A_357 = arith.addf %scan3A_321, %mul3A_356 : vector<16xf32>
        %mul3A_358 = arith.mulf %get3A_341, %get3A_341 : vector<16xf32>
        %add3A_359 = arith.addf %scan3A_322, %mul3A_358 : vector<16xf32>
        %mul3A_360 = arith.mulf %get3A_344, %get3A_344 : vector<16xf32>
        %add3A_361 = arith.addf %scan3A_323, %mul3A_360 : vector<16xf32>
        %mul3A_362 = arith.mulf %get3A_347, %get3A_347 : vector<16xf32>
        %add3A_363 = arith.addf %scan3A_324, %mul3A_362 : vector<16xf32>
        %scan3A_364 = arith.constant 1 : i32
        %scan3A_365 = arith.addi %scan3A_316, %scan3A_364 : i32
        %get3A_366 = arith.index_cast %scan3A_365 : i32 to index
        %get3A_367 = arith.constant 0 : index
        %get3A_368 = tpu.vector_load %arg7[%get3A_366, %get3A_367] {strides = array<i32>} : memref<50x128xf32, #tpu.memory_space<vmem>>, vector<16xf32>,
        %get3A_369 = arith.index_cast %scan3A_365 : i32 to index
        %get3A_370 = arith.constant 16 : index
        %get3A_371 = tpu.vector_load %arg7[%get3A_369, %get3A_370] {strides = array<i32>} : memref<50x128xf32, #tpu.memory_space<vmem>>, vector<16xf32>,
        %get3A_372 = arith.index_cast %scan3A_365 : i32 to index
        %get3A_373 = arith.constant 32 : index
        %get3A_374 = tpu.vector_load %arg7[%get3A_372, %get3A_373] {strides = array<i32>} : memref<50x128xf32, #tpu.memory_space<vmem>>, vector<16xf32>,
        %get3A_375 = arith.index_cast %scan3A_365 : i32 to index
        %get3A_376 = arith.constant 48 : index
        %get3A_377 = tpu.vector_load %arg7[%get3A_375, %get3A_376] {strides = array<i32>} : memref<50x128xf32, #tpu.memory_space<vmem>>, vector<16xf32>,
        %get3A_378 = arith.index_cast %scan3A_365 : i32 to index
        %get3A_379 = arith.constant 64 : index
        %get3A_380 = tpu.vector_load %arg7[%get3A_378, %get3A_379] {strides = array<i32>} : memref<50x128xf32, #tpu.memory_space<vmem>>, vector<16xf32>,
        %get3A_381 = arith.index_cast %scan3A_365 : i32 to index
        %get3A_382 = arith.constant 80 : index
        %get3A_383 = tpu.vector_load %arg7[%get3A_381, %get3A_382] {strides = array<i32>} : memref<50x128xf32, #tpu.memory_space<vmem>>, vector<16xf32>,
        %get3A_384 = arith.index_cast %scan3A_365 : i32 to index
        %get3A_385 = arith.constant 96 : index
        %get3A_386 = tpu.vector_load %arg7[%get3A_384, %get3A_385] {strides = array<i32>} : memref<50x128xf32, #tpu.memory_space<vmem>>, vector<16xf32>,
        %get3A_387 = arith.index_cast %scan3A_365 : i32 to index
        %get3A_388 = arith.constant 112 : index
        %get3A_389 = tpu.vector_load %arg7[%get3A_387, %get3A_388] {strides = array<i32>} : memref<50x128xf32, #tpu.memory_space<vmem>>, vector<16xf32>,
        %mul3A_390 = arith.mulf %get3A_368, %get3A_368 : vector<16xf32>
        %add3A_391 = arith.addf %add3A_349, %mul3A_390 : vector<16xf32>
        %mul3A_392 = arith.mulf %get3A_371, %get3A_371 : vector<16xf32>
        %add3A_393 = arith.addf %add3A_351, %mul3A_392 : vector<16xf32>
        %mul3A_394 = arith.mulf %get3A_374, %get3A_374 : vector<16xf32>
        %add3A_395 = arith.addf %add3A_353, %mul3A_394 : vector<16xf32>
        %mul3A_396 = arith.mulf %get3A_377, %get3A_377 : vector<16xf32>
        %add3A_397 = arith.addf %add3A_355, %mul3A_396 : vector<16xf32>
        %mul3A_398 = arith.mulf %get3A_380, %get3A_380 : vector<16xf32>
        %add3A_399 = arith.addf %add3A_357, %mul3A_398 : vector<16xf32>
        %mul3A_400 = arith.mulf %get3A_383, %get3A_383 : vector<16xf32>
        %add3A_401 = arith.addf %add3A_359, %mul3A_400 : vector<16xf32>
        %mul3A_402 = arith.mulf %get3A_386, %get3A_386 : vector<16xf32>
        %add3A_403 = arith.addf %add3A_361, %mul3A_402 : vector<16xf32>
        %mul3A_404 = arith.mulf %get3A_389, %get3A_389 : vector<16xf32>
        %add3A_405 = arith.addf %add3A_363, %mul3A_404 : vector<16xf32>
        scf.yield %add3A_391, %add3A_393, %add3A_395, %add3A_397, %add3A_399, %add3A_401, %add3A_403, %add3A_405 : vector<16xf32>, vector<16xf32>, vector<16xf32>, vector<16xf32>, vector<16xf32>, vector<16xf32>, vector<16xf32>, vector<16xf32>
      }
      %scan3A_131 = arith.constant 50 : i32
      %rem3A_132 = arith.constant 64 : i32
      %rem3A_133 = arith.remsi %add3A_103, %rem3A_132 : i32
      %swap3A_134 = arith.index_cast %rem3A_133 : i32 to index
      %swap3A_135 = arith.constant 0 : index
      %swap3A_136 = tpu.vector_load %arg10[%swap3A_134, %swap3A_135] {strides = array<i32>} : memref<64x128xf32, #tpu.memory_space<vmem>>, vector<16xf32>,
      tpu.vector_store %arg10[%swap3A_134, %swap3A_135], %scan3A_130#0 {strides = array<i32>} : memref<64x128xf32, #tpu.memory_space<vmem>>, vector<16xf32>,
      %swap3A_137 = arith.index_cast %rem3A_133 : i32 to index
      %swap3A_138 = arith.constant 16 : index
      %swap3A_139 = tpu.vector_load %arg10[%swap3A_137, %swap3A_138] {strides = array<i32>} : memref<64x128xf32, #tpu.memory_space<vmem>>, vector<16xf32>,
      tpu.vector_store %arg10[%swap3A_137, %swap3A_138], %scan3A_130#1 {strides = array<i32>} : memref<64x128xf32, #tpu.memory_space<vmem>>, vector<16xf32>,
      %swap3A_140 = arith.index_cast %rem3A_133 : i32 to index
      %swap3A_141 = arith.constant 32 : index
      %swap3A_142 = tpu.vector_load %arg10[%swap3A_140, %swap3A_141] {strides = array<i32>} : memref<64x128xf32, #tpu.memory_space<vmem>>, vector<16xf32>,
      tpu.vector_store %arg10[%swap3A_140, %swap3A_141], %scan3A_130#2 {strides = array<i32>} : memref<64x128xf32, #tpu.memory_space<vmem>>, vector<16xf32>,
      %swap3A_143 = arith.index_cast %rem3A_133 : i32 to index
      %swap3A_144 = arith.constant 48 : index
      %swap3A_145 = tpu.vector_load %arg10[%swap3A_143, %swap3A_144] {strides = array<i32>} : memref<64x128xf32, #tpu.memory_space<vmem>>, vector<16xf32>,
      tpu.vector_store %arg10[%swap3A_143, %swap3A_144], %scan3A_130#3 {strides = array<i32>} : memref<64x128xf32, #tpu.memory_space<vmem>>, vector<16xf32>,
      %swap3A_146 = arith.index_cast %rem3A_133 : i32 to index
      %swap3A_147 = arith.constant 64 : index
      %swap3A_148 = tpu.vector_load %arg10[%swap3A_146, %swap3A_147] {strides = array<i32>} : memref<64x128xf32, #tpu.memory_space<vmem>>, vector<16xf32>,
      tpu.vector_store %arg10[%swap3A_146, %swap3A_147], %scan3A_130#4 {strides = array<i32>} : memref<64x128xf32, #tpu.memory_space<vmem>>, vector<16xf32>,
      %swap3A_149 = arith.index_cast %rem3A_133 : i32 to index
      %swap3A_150 = arith.constant 80 : index
      %swap3A_151 = tpu.vector_load %arg10[%swap3A_149, %swap3A_150] {strides = array<i32>} : memref<64x128xf32, #tpu.memory_space<vmem>>, vector<16xf32>,
      tpu.vector_store %arg10[%swap3A_149, %swap3A_150], %scan3A_130#5 {strides = array<i32>} : memref<64x128xf32, #tpu.memory_space<vmem>>, vector<16xf32>,
      %swap3A_152 = arith.index_cast %rem3A_133 : i32 to index
      %swap3A_153 = arith.constant 96 : index
      %swap3A_154 = tpu.vector_load %arg10[%swap3A_152, %swap3A_153] {strides = array<i32>} : memref<64x128xf32, #tpu.memory_space<vmem>>, vector<16xf32>,
      tpu.vector_store %arg10[%swap3A_152, %swap3A_153], %scan3A_130#6 {strides = array<i32>} : memref<64x128xf32, #tpu.memory_space<vmem>>, vector<16xf32>,
      %swap3A_155 = arith.index_cast %rem3A_133 : i32 to index
      %swap3A_156 = arith.constant 112 : index
      %swap3A_157 = tpu.vector_load %arg10[%swap3A_155, %swap3A_156] {strides = array<i32>} : memref<64x128xf32, #tpu.memory_space<vmem>>, vector<16xf32>,
      tpu.vector_store %arg10[%swap3A_155, %swap3A_156], %scan3A_130#7 {strides = array<i32>} : memref<64x128xf32, #tpu.memory_space<vmem>>, vector<16xf32>,
      %add3A_158 = arith.constant 4 : i32
      %add3A_159 = arith.addi %add3A_103, %add3A_158 : i32
      %lt3A_160 = arith.constant 512 : i32
      %lt3A_161 = arith.cmpi slt, %add3A_159, %lt3A_160 : i32
      %convert_element_type3A_162 = arith.extui %lt3A_161 : i1 to i32
      %cond3A_163 = arith.constant 0 : i32
      %cond3A_164 = arith.cmpi ne, %convert_element_type3A_162, %cond3A_163 : i32
      scf.if %cond3A_164 {
        %add3A_316 = arith.constant 4 : i32
        %add3A_317 = arith.addi %add3A_103, %add3A_316 : i32
        %dma_start3A_318 = arith.constant 0 : i32
        %dma_start3A_319 = tpu.memref_slice %arg5[%add3A_317, %dma_start3A_318] : memref<512x128xi32, #tpu.memory_space<vmem>> -> memref<1x50xi32, #tpu.memory_space<vmem>>
        %dma_start3A_320 = tpu.memref_squeeze %dma_start3A_319 : memref<1x50xi32, #tpu.memory_space<vmem>> -> memref<50xi32, #tpu.memory_space<vmem>>
        %dma_start3A_321 = arith.constant 0 : i32
        %dma_start3A_322 = arith.constant 0 : i32
        %dma_start3A_323 = tpu.memref_slice %arg2[%dma_start3A_321, %dma_start3A_322] : memref<100000x128xf32, #tpu.memory_space<hbm>> -> memref<100000x128xf32, #tpu.memory_space<hbm>>
        tpu.enqueue_indirect_dma source(%dma_start3A_323 : memref<100000x128xf32, #tpu.memory_space<hbm>>) target(%arg7 : memref<50x128xf32, #tpu.memory_space<vmem>>) offsets(%dma_start3A_320 : memref<50xi32, #tpu.memory_space<vmem>>) semaphore(%arg12 : memref<!tpu.dma_semaphore, #tpu.memory_space<semaphore_mem>>)
      } else {
      }
      %rem3A_165 = arith.constant 64 : i32
      %rem3A_166 = arith.remsi %add3A_103, %rem3A_165 : i32
      %eq3A_167 = arith.constant 63 : i32
      %eq3A_168 = arith.cmpi eq, %rem3A_166, %eq3A_167 : i32
      %convert_element_type3A_169 = arith.extui %eq3A_168 : i1 to i32
      %cond3A_170 = arith.constant 0 : i32
      %cond3A_171 = arith.cmpi ne, %convert_element_type3A_169, %cond3A_170 : i32
      scf.if %cond3A_171 {
        %mul3A_316 = arith.constant 512 : i32
        %mul3A_317 = arith.muli %add3A, %mul3A_316 : i32
        %add3A_318 = arith.addi %mul3A_317, %add3A_103 : i32
        %sub3A = arith.constant 63 : i32
        %sub3A_319 = arith.subi %add3A_318, %sub3A : i32
        %multiple_of3A = tpu.assume_multiple %sub3A_319, 64 : i32
        "tpu.region"() ({
          %run_scoped3A = tpu.sem_alloc : memref<!tpu.dma_semaphore, #tpu.memory_space<semaphore_mem>>
          %dma_start3A_320 = arith.constant 0 : i32
          %dma_start3A_321 = tpu.memref_slice %arg4[%multiple_of3A, %dma_start3A_320] : memref<16384x128xf32, #tpu.memory_space<hbm>> -> memref<64x128xf32, #tpu.memory_space<hbm>>
          %dma_start3A_322 = arith.constant 0 : i32
          %dma_start3A_323 = tpu.memref_slice %arg4[%multiple_of3A, %dma_start3A_322] : memref<16384x128xf32, #tpu.memory_space<hbm>> -> memref<64x128xf32, #tpu.memory_space<hbm>>
          tpu.enqueue_dma source(%arg10 : memref<64x128xf32, #tpu.memory_space<vmem>>) target(%dma_start3A_323 : memref<64x128xf32, #tpu.memory_space<hbm>>) target_semaphore(%run_scoped3A : memref<!tpu.dma_semaphore, #tpu.memory_space<semaphore_mem>>)
          %dma_wait3A_324 = arith.constant 0 : i32
          %dma_wait3A_325 = tpu.memref_slice %arg4[%multiple_of3A, %dma_wait3A_324] : memref<16384x128xf32, #tpu.memory_space<hbm>> -> memref<64x128xf32, #tpu.memory_space<hbm>>
          %dma_wait3A_326 = arith.constant 0 : i32
          %dma_wait3A_327 = tpu.memref_slice %arg4[%multiple_of3A, %dma_wait3A_326] : memref<16384x128xf32, #tpu.memory_space<hbm>> -> memref<64x128xf32, #tpu.memory_space<hbm>>
          tpu.wait_dma2 semaphore(%run_scoped3A : memref<!tpu.dma_semaphore, #tpu.memory_space<semaphore_mem>>) src(%arg10 : memref<64x128xf32, #tpu.memory_space<vmem>>) dst(%dma_wait3A_327 : memref<64x128xf32, #tpu.memory_space<hbm>>)
          tpu.yield
        }) : () -> ()
      } else {
      }
      %mul3A_172 = arith.constant 4 : i32
      %mul3A_173 = arith.muli %scan3A_35, %mul3A_172 : i32
      %add3A_174 = arith.constant 2 : i32
      %add3A_175 = arith.addi %mul3A_173, %add3A_174 : i32
      %dma_wait3A_176 = arith.constant 0 : i32
      %dma_wait3A_177 = tpu.memref_slice %arg5[%add3A_175, %dma_wait3A_176] : memref<512x128xi32, #tpu.memory_space<vmem>> -> memref<1x50xi32, #tpu.memory_space<vmem>>
      %dma_wait3A_178 = tpu.memref_squeeze %dma_wait3A_177 : memref<1x50xi32, #tpu.memory_space<vmem>> -> memref<50xi32, #tpu.memory_space<vmem>>
      %dma_wait3A_179 = arith.constant 0 : i32
      %dma_wait3A_180 = arith.constant 0 : i32
      %dma_wait3A_181 = tpu.memref_slice %arg2[%dma_wait3A_179, %dma_wait3A_180] : memref<100000x128xf32, #tpu.memory_space<hbm>> -> memref<100000x128xf32, #tpu.memory_space<hbm>>
      tpu.wait_indirect_dma semaphore(%arg13 : memref<!tpu.dma_semaphore, #tpu.memory_space<semaphore_mem>>) src(%dma_wait3A_181 : memref<100000x128xf32, #tpu.memory_space<hbm>>) dst(%arg8 : memref<50x128xf32, #tpu.memory_space<vmem>>)
      %broadcast_in_dim3A_182 = arith.constant 0.000000e+00 : f32
      %broadcast_in_dim3A_183 = vector.broadcast %broadcast_in_dim3A_182 : f32 to vector<16xf32>
      %broadcast_in_dim3A_184 = arith.constant 0.000000e+00 : f32
      %broadcast_in_dim3A_185 = vector.broadcast %broadcast_in_dim3A_184 : f32 to vector<16xf32>
      %broadcast_in_dim3A_186 = arith.constant 0.000000e+00 : f32
      %broadcast_in_dim3A_187 = vector.broadcast %broadcast_in_dim3A_186 : f32 to vector<16xf32>
      %broadcast_in_dim3A_188 = arith.constant 0.000000e+00 : f32
      %broadcast_in_dim3A_189 = vector.broadcast %broadcast_in_dim3A_188 : f32 to vector<16xf32>
      %broadcast_in_dim3A_190 = arith.constant 0.000000e+00 : f32
      %broadcast_in_dim3A_191 = vector.broadcast %broadcast_in_dim3A_190 : f32 to vector<16xf32>
      %broadcast_in_dim3A_192 = arith.constant 0.000000e+00 : f32
      %broadcast_in_dim3A_193 = vector.broadcast %broadcast_in_dim3A_192 : f32 to vector<16xf32>
      %broadcast_in_dim3A_194 = arith.constant 0.000000e+00 : f32
      %broadcast_in_dim3A_195 = vector.broadcast %broadcast_in_dim3A_194 : f32 to vector<16xf32>
      %broadcast_in_dim3A_196 = arith.constant 0.000000e+00 : f32
      %broadcast_in_dim3A_197 = vector.broadcast %broadcast_in_dim3A_196 : f32 to vector<16xf32>
      %scan3A_198 = arith.constant 0 : i32
      %scan3A_199 = arith.constant 50 : i32
      %scan3A_200 = arith.addi %scan3A_198, %scan3A_199 : i32
      %scan3A_201 = arith.constant 2 : i32
      %scan3A_202:8 = scf.for %scan3A_316 = %scan3A_198 to %scan3A_200 step %scan3A_201 iter_args(%scan3A_317 = %broadcast_in_dim3A_183, %scan3A_318 = %broadcast_in_dim3A_185, %scan3A_319 = %broadcast_in_dim3A_187, %scan3A_320 = %broadcast_in_dim3A_189, %scan3A_321 = %broadcast_in_dim3A_191, %scan3A_322 = %broadcast_in_dim3A_193, %scan3A_323 = %broadcast_in_dim3A_195, %scan3A_324 = %broadcast_in_dim3A_197) -> (vector<16xf32>, vector<16xf32>, vector<16xf32>, vector<16xf32>, vector<16xf32>, vector<16xf32>, vector<16xf32>, vector<16xf32>)  : i32 {
        %get3A = arith.index_cast %scan3A_316 : i32 to index
        %get3A_325 = arith.constant 0 : index
        %get3A_326 = tpu.vector_load %arg8[%get3A, %get3A_325] {strides = array<i32>} : memref<50x128xf32, #tpu.memory_space<vmem>>, vector<16xf32>,
        %get3A_327 = arith.index_cast %scan3A_316 : i32 to index
        %get3A_328 = arith.constant 16 : index
        %get3A_329 = tpu.vector_load %arg8[%get3A_327, %get3A_328] {strides = array<i32>} : memref<50x128xf32, #tpu.memory_space<vmem>>, vector<16xf32>,
        %get3A_330 = arith.index_cast %scan3A_316 : i32 to index
        %get3A_331 = arith.constant 32 : index
        %get3A_332 = tpu.vector_load %arg8[%get3A_330, %get3A_331] {strides = array<i32>} : memref<50x128xf32, #tpu.memory_space<vmem>>, vector<16xf32>,
        %get3A_333 = arith.index_cast %scan3A_316 : i32 to index
        %get3A_334 = arith.constant 48 : index
        %get3A_335 = tpu.vector_load %arg8[%get3A_333, %get3A_334] {strides = array<i32>} : memref<50x128xf32, #tpu.memory_space<vmem>>, vector<16xf32>,
        %get3A_336 = arith.index_cast %scan3A_316 : i32 to index
        %get3A_337 = arith.constant 64 : index
        %get3A_338 = tpu.vector_load %arg8[%get3A_336, %get3A_337] {strides = array<i32>} : memref<50x128xf32, #tpu.memory_space<vmem>>, vector<16xf32>,
        %get3A_339 = arith.index_cast %scan3A_316 : i32 to index
        %get3A_340 = arith.constant 80 : index
        %get3A_341 = tpu.vector_load %arg8[%get3A_339, %get3A_340] {strides = array<i32>} : memref<50x128xf32, #tpu.memory_space<vmem>>, vector<16xf32>,
        %get3A_342 = arith.index_cast %scan3A_316 : i32 to index
        %get3A_343 = arith.constant 96 : index
        %get3A_344 = tpu.vector_load %arg8[%get3A_342, %get3A_343] {strides = array<i32>} : memref<50x128xf32, #tpu.memory_space<vmem>>, vector<16xf32>,
        %get3A_345 = arith.index_cast %scan3A_316 : i32 to index
        %get3A_346 = arith.constant 112 : index
        %get3A_347 = tpu.vector_load %arg8[%get3A_345, %get3A_346] {strides = array<i32>} : memref<50x128xf32, #tpu.memory_space<vmem>>, vector<16xf32>,
        %mul3A_348 = arith.mulf %get3A_326, %get3A_326 : vector<16xf32>
        %add3A_349 = arith.addf %scan3A_317, %mul3A_348 : vector<16xf32>
        %mul3A_350 = arith.mulf %get3A_329, %get3A_329 : vector<16xf32>
        %add3A_351 = arith.addf %scan3A_318, %mul3A_350 : vector<16xf32>
        %mul3A_352 = arith.mulf %get3A_332, %get3A_332 : vector<16xf32>
        %add3A_353 = arith.addf %scan3A_319, %mul3A_352 : vector<16xf32>
        %mul3A_354 = arith.mulf %get3A_335, %get3A_335 : vector<16xf32>
        %add3A_355 = arith.addf %scan3A_320, %mul3A_354 : vector<16xf32>
        %mul3A_356 = arith.mulf %get3A_338, %get3A_338 : vector<16xf32>
        %add3A_357 = arith.addf %scan3A_321, %mul3A_356 : vector<16xf32>
        %mul3A_358 = arith.mulf %get3A_341, %get3A_341 : vector<16xf32>
        %add3A_359 = arith.addf %scan3A_322, %mul3A_358 : vector<16xf32>
        %mul3A_360 = arith.mulf %get3A_344, %get3A_344 : vector<16xf32>
        %add3A_361 = arith.addf %scan3A_323, %mul3A_360 : vector<16xf32>
        %mul3A_362 = arith.mulf %get3A_347, %get3A_347 : vector<16xf32>
        %add3A_363 = arith.addf %scan3A_324, %mul3A_362 : vector<16xf32>
        %scan3A_364 = arith.constant 1 : i32
        %scan3A_365 = arith.addi %scan3A_316, %scan3A_364 : i32
        %get3A_366 = arith.index_cast %scan3A_365 : i32 to index
        %get3A_367 = arith.constant 0 : index
        %get3A_368 = tpu.vector_load %arg8[%get3A_366, %get3A_367] {strides = array<i32>} : memref<50x128xf32, #tpu.memory_space<vmem>>, vector<16xf32>,
        %get3A_369 = arith.index_cast %scan3A_365 : i32 to index
        %get3A_370 = arith.constant 16 : index
        %get3A_371 = tpu.vector_load %arg8[%get3A_369, %get3A_370] {strides = array<i32>} : memref<50x128xf32, #tpu.memory_space<vmem>>, vector<16xf32>,
        %get3A_372 = arith.index_cast %scan3A_365 : i32 to index
        %get3A_373 = arith.constant 32 : index
        %get3A_374 = tpu.vector_load %arg8[%get3A_372, %get3A_373] {strides = array<i32>} : memref<50x128xf32, #tpu.memory_space<vmem>>, vector<16xf32>,
        %get3A_375 = arith.index_cast %scan3A_365 : i32 to index
        %get3A_376 = arith.constant 48 : index
        %get3A_377 = tpu.vector_load %arg8[%get3A_375, %get3A_376] {strides = array<i32>} : memref<50x128xf32, #tpu.memory_space<vmem>>, vector<16xf32>,
        %get3A_378 = arith.index_cast %scan3A_365 : i32 to index
        %get3A_379 = arith.constant 64 : index
        %get3A_380 = tpu.vector_load %arg8[%get3A_378, %get3A_379] {strides = array<i32>} : memref<50x128xf32, #tpu.memory_space<vmem>>, vector<16xf32>,
        %get3A_381 = arith.index_cast %scan3A_365 : i32 to index
        %get3A_382 = arith.constant 80 : index
        %get3A_383 = tpu.vector_load %arg8[%get3A_381, %get3A_382] {strides = array<i32>} : memref<50x128xf32, #tpu.memory_space<vmem>>, vector<16xf32>,
        %get3A_384 = arith.index_cast %scan3A_365 : i32 to index
        %get3A_385 = arith.constant 96 : index
        %get3A_386 = tpu.vector_load %arg8[%get3A_384, %get3A_385] {strides = array<i32>} : memref<50x128xf32, #tpu.memory_space<vmem>>, vector<16xf32>,
        %get3A_387 = arith.index_cast %scan3A_365 : i32 to index
        %get3A_388 = arith.constant 112 : index
        %get3A_389 = tpu.vector_load %arg8[%get3A_387, %get3A_388] {strides = array<i32>} : memref<50x128xf32, #tpu.memory_space<vmem>>, vector<16xf32>,
        %mul3A_390 = arith.mulf %get3A_368, %get3A_368 : vector<16xf32>
        %add3A_391 = arith.addf %add3A_349, %mul3A_390 : vector<16xf32>
        %mul3A_392 = arith.mulf %get3A_371, %get3A_371 : vector<16xf32>
        %add3A_393 = arith.addf %add3A_351, %mul3A_392 : vector<16xf32>
        %mul3A_394 = arith.mulf %get3A_374, %get3A_374 : vector<16xf32>
        %add3A_395 = arith.addf %add3A_353, %mul3A_394 : vector<16xf32>
        %mul3A_396 = arith.mulf %get3A_377, %get3A_377 : vector<16xf32>
        %add3A_397 = arith.addf %add3A_355, %mul3A_396 : vector<16xf32>
        %mul3A_398 = arith.mulf %get3A_380, %get3A_380 : vector<16xf32>
        %add3A_399 = arith.addf %add3A_357, %mul3A_398 : vector<16xf32>
        %mul3A_400 = arith.mulf %get3A_383, %get3A_383 : vector<16xf32>
        %add3A_401 = arith.addf %add3A_359, %mul3A_400 : vector<16xf32>
        %mul3A_402 = arith.mulf %get3A_386, %get3A_386 : vector<16xf32>
        %add3A_403 = arith.addf %add3A_361, %mul3A_402 : vector<16xf32>
        %mul3A_404 = arith.mulf %get3A_389, %get3A_389 : vector<16xf32>
        %add3A_405 = arith.addf %add3A_363, %mul3A_404 : vector<16xf32>
        scf.yield %add3A_391, %add3A_393, %add3A_395, %add3A_397, %add3A_399, %add3A_401, %add3A_403, %add3A_405 : vector<16xf32>, vector<16xf32>, vector<16xf32>, vector<16xf32>, vector<16xf32>, vector<16xf32>, vector<16xf32>, vector<16xf32>
      }
      %scan3A_203 = arith.constant 50 : i32
      %rem3A_204 = arith.constant 64 : i32
      %rem3A_205 = arith.remsi %add3A_175, %rem3A_204 : i32
      %swap3A_206 = arith.index_cast %rem3A_205 : i32 to index
      %swap3A_207 = arith.constant 0 : index
      %swap3A_208 = tpu.vector_load %arg10[%swap3A_206, %swap3A_207] {strides = array<i32>} : memref<64x128xf32, #tpu.memory_space<vmem>>, vector<16xf32>,
      tpu.vector_store %arg10[%swap3A_206, %swap3A_207], %scan3A_202#0 {strides = array<i32>} : memref<64x128xf32, #tpu.memory_space<vmem>>, vector<16xf32>,
      %swap3A_209 = arith.index_cast %rem3A_205 : i32 to index
      %swap3A_210 = arith.constant 16 : index
      %swap3A_211 = tpu.vector_load %arg10[%swap3A_209, %swap3A_210] {strides = array<i32>} : memref<64x128xf32, #tpu.memory_space<vmem>>, vector<16xf32>,
      tpu.vector_store %arg10[%swap3A_209, %swap3A_210], %scan3A_202#1 {strides = array<i32>} : memref<64x128xf32, #tpu.memory_space<vmem>>, vector<16xf32>,
      %swap3A_212 = arith.index_cast %rem3A_205 : i32 to index
      %swap3A_213 = arith.constant 32 : index
      %swap3A_214 = tpu.vector_load %arg10[%swap3A_212, %swap3A_213] {strides = array<i32>} : memref<64x128xf32, #tpu.memory_space<vmem>>, vector<16xf32>,
      tpu.vector_store %arg10[%swap3A_212, %swap3A_213], %scan3A_202#2 {strides = array<i32>} : memref<64x128xf32, #tpu.memory_space<vmem>>, vector<16xf32>,
      %swap3A_215 = arith.index_cast %rem3A_205 : i32 to index
      %swap3A_216 = arith.constant 48 : index
      %swap3A_217 = tpu.vector_load %arg10[%swap3A_215, %swap3A_216] {strides = array<i32>} : memref<64x128xf32, #tpu.memory_space<vmem>>, vector<16xf32>,
      tpu.vector_store %arg10[%swap3A_215, %swap3A_216], %scan3A_202#3 {strides = array<i32>} : memref<64x128xf32, #tpu.memory_space<vmem>>, vector<16xf32>,
      %swap3A_218 = arith.index_cast %rem3A_205 : i32 to index
      %swap3A_219 = arith.constant 64 : index
      %swap3A_220 = tpu.vector_load %arg10[%swap3A_218, %swap3A_219] {strides = array<i32>} : memref<64x128xf32, #tpu.memory_space<vmem>>, vector<16xf32>,
      tpu.vector_store %arg10[%swap3A_218, %swap3A_219], %scan3A_202#4 {strides = array<i32>} : memref<64x128xf32, #tpu.memory_space<vmem>>, vector<16xf32>,
      %swap3A_221 = arith.index_cast %rem3A_205 : i32 to index
      %swap3A_222 = arith.constant 80 : index
      %swap3A_223 = tpu.vector_load %arg10[%swap3A_221, %swap3A_222] {strides = array<i32>} : memref<64x128xf32, #tpu.memory_space<vmem>>, vector<16xf32>,
      tpu.vector_store %arg10[%swap3A_221, %swap3A_222], %scan3A_202#5 {strides = array<i32>} : memref<64x128xf32, #tpu.memory_space<vmem>>, vector<16xf32>,
      %swap3A_224 = arith.index_cast %rem3A_205 : i32 to index
      %swap3A_225 = arith.constant 96 : index
      %swap3A_226 = tpu.vector_load %arg10[%swap3A_224, %swap3A_225] {strides = array<i32>} : memref<64x128xf32, #tpu.memory_space<vmem>>, vector<16xf32>,
      tpu.vector_store %arg10[%swap3A_224, %swap3A_225], %scan3A_202#6 {strides = array<i32>} : memref<64x128xf32, #tpu.memory_space<vmem>>, vector<16xf32>,
      %swap3A_227 = arith.index_cast %rem3A_205 : i32 to index
      %swap3A_228 = arith.constant 112 : index
      %swap3A_229 = tpu.vector_load %arg10[%swap3A_227, %swap3A_228] {strides = array<i32>} : memref<64x128xf32, #tpu.memory_space<vmem>>, vector<16xf32>,
      tpu.vector_store %arg10[%swap3A_227, %swap3A_228], %scan3A_202#7 {strides = array<i32>} : memref<64x128xf32, #tpu.memory_space<vmem>>, vector<16xf32>,
      %add3A_230 = arith.constant 4 : i32
      %add3A_231 = arith.addi %add3A_175, %add3A_230 : i32
      %lt3A_232 = arith.constant 512 : i32
      %lt3A_233 = arith.cmpi slt, %add3A_231, %lt3A_232 : i32
      %convert_element_type3A_234 = arith.extui %lt3A_233 : i1 to i32
      %cond3A_235 = arith.constant 0 : i32
      %cond3A_236 = arith.cmpi ne, %convert_element_type3A_234, %cond3A_235 : i32
      scf.if %cond3A_236 {
        %add3A_316 = arith.constant 4 : i32
        %add3A_317 = arith.addi %add3A_175, %add3A_316 : i32
        %dma_start3A_318 = arith.constant 0 : i32
        %dma_start3A_319 = tpu.memref_slice %arg5[%add3A_317, %dma_start3A_318] : memref<512x128xi32, #tpu.memory_space<vmem>> -> memref<1x50xi32, #tpu.memory_space<vmem>>
        %dma_start3A_320 = tpu.memref_squeeze %dma_start3A_319 : memref<1x50xi32, #tpu.memory_space<vmem>> -> memref<50xi32, #tpu.memory_space<vmem>>
        %dma_start3A_321 = arith.constant 0 : i32
        %dma_start3A_322 = arith.constant 0 : i32
        %dma_start3A_323 = tpu.memref_slice %arg2[%dma_start3A_321, %dma_start3A_322] : memref<100000x128xf32, #tpu.memory_space<hbm>> -> memref<100000x128xf32, #tpu.memory_space<hbm>>
        tpu.enqueue_indirect_dma source(%dma_start3A_323 : memref<100000x128xf32, #tpu.memory_space<hbm>>) target(%arg8 : memref<50x128xf32, #tpu.memory_space<vmem>>) offsets(%dma_start3A_320 : memref<50xi32, #tpu.memory_space<vmem>>) semaphore(%arg13 : memref<!tpu.dma_semaphore, #tpu.memory_space<semaphore_mem>>)
      } else {
      }
      %rem3A_237 = arith.constant 64 : i32
      %rem3A_238 = arith.remsi %add3A_175, %rem3A_237 : i32
      %eq3A_239 = arith.constant 63 : i32
      %eq3A_240 = arith.cmpi eq, %rem3A_238, %eq3A_239 : i32
      %convert_element_type3A_241 = arith.extui %eq3A_240 : i1 to i32
      %cond3A_242 = arith.constant 0 : i32
      %cond3A_243 = arith.cmpi ne, %convert_element_type3A_241, %cond3A_242 : i32
      scf.if %cond3A_243 {
        %mul3A_316 = arith.constant 512 : i32
        %mul3A_317 = arith.muli %add3A, %mul3A_316 : i32
        %add3A_318 = arith.addi %mul3A_317, %add3A_175 : i32
        %sub3A = arith.constant 63 : i32
        %sub3A_319 = arith.subi %add3A_318, %sub3A : i32
        %multiple_of3A = tpu.assume_multiple %sub3A_319, 64 : i32
        "tpu.region"() ({
          %run_scoped3A = tpu.sem_alloc : memref<!tpu.dma_semaphore, #tpu.memory_space<semaphore_mem>>
          %dma_start3A_320 = arith.constant 0 : i32
          %dma_start3A_321 = tpu.memref_slice %arg4[%multiple_of3A, %dma_start3A_320] : memref<16384x128xf32, #tpu.memory_space<hbm>> -> memref<64x128xf32, #tpu.memory_space<hbm>>
          %dma_start3A_322 = arith.constant 0 : i32
          %dma_start3A_323 = tpu.memref_slice %arg4[%multiple_of3A, %dma_start3A_322] : memref<16384x128xf32, #tpu.memory_space<hbm>> -> memref<64x128xf32, #tpu.memory_space<hbm>>
          tpu.enqueue_dma source(%arg10 : memref<64x128xf32, #tpu.memory_space<vmem>>) target(%dma_start3A_323 : memref<64x128xf32, #tpu.memory_space<hbm>>) target_semaphore(%run_scoped3A : memref<!tpu.dma_semaphore, #tpu.memory_space<semaphore_mem>>)
          %dma_wait3A_324 = arith.constant 0 : i32
          %dma_wait3A_325 = tpu.memref_slice %arg4[%multiple_of3A, %dma_wait3A_324] : memref<16384x128xf32, #tpu.memory_space<hbm>> -> memref<64x128xf32, #tpu.memory_space<hbm>>
          %dma_wait3A_326 = arith.constant 0 : i32
          %dma_wait3A_327 = tpu.memref_slice %arg4[%multiple_of3A, %dma_wait3A_326] : memref<16384x128xf32, #tpu.memory_space<hbm>> -> memref<64x128xf32, #tpu.memory_space<hbm>>
          tpu.wait_dma2 semaphore(%run_scoped3A : memref<!tpu.dma_semaphore, #tpu.memory_space<semaphore_mem>>) src(%arg10 : memref<64x128xf32, #tpu.memory_space<vmem>>) dst(%dma_wait3A_327 : memref<64x128xf32, #tpu.memory_space<hbm>>)
          tpu.yield
        }) : () -> ()
      } else {
      }
      %mul3A_244 = arith.constant 4 : i32
      %mul3A_245 = arith.muli %scan3A_35, %mul3A_244 : i32
      %add3A_246 = arith.constant 3 : i32
      %add3A_247 = arith.addi %mul3A_245, %add3A_246 : i32
      %dma_wait3A_248 = arith.constant 0 : i32
      %dma_wait3A_249 = tpu.memref_slice %arg5[%add3A_247, %dma_wait3A_248] : memref<512x128xi32, #tpu.memory_space<vmem>> -> memref<1x50xi32, #tpu.memory_space<vmem>>
      %dma_wait3A_250 = tpu.memref_squeeze %dma_wait3A_249 : memref<1x50xi32, #tpu.memory_space<vmem>> -> memref<50xi32, #tpu.memory_space<vmem>>
      %dma_wait3A_251 = arith.constant 0 : i32
      %dma_wait3A_252 = arith.constant 0 : i32
      %dma_wait3A_253 = tpu.memref_slice %arg2[%dma_wait3A_251, %dma_wait3A_252] : memref<100000x128xf32, #tpu.memory_space<hbm>> -> memref<100000x128xf32, #tpu.memory_space<hbm>>
      tpu.wait_indirect_dma semaphore(%arg14 : memref<!tpu.dma_semaphore, #tpu.memory_space<semaphore_mem>>) src(%dma_wait3A_253 : memref<100000x128xf32, #tpu.memory_space<hbm>>) dst(%arg9 : memref<50x128xf32, #tpu.memory_space<vmem>>)
      %broadcast_in_dim3A_254 = arith.constant 0.000000e+00 : f32
      %broadcast_in_dim3A_255 = vector.broadcast %broadcast_in_dim3A_254 : f32 to vector<16xf32>
      %broadcast_in_dim3A_256 = arith.constant 0.000000e+00 : f32
      %broadcast_in_dim3A_257 = vector.broadcast %broadcast_in_dim3A_256 : f32 to vector<16xf32>
      %broadcast_in_dim3A_258 = arith.constant 0.000000e+00 : f32
      %broadcast_in_dim3A_259 = vector.broadcast %broadcast_in_dim3A_258 : f32 to vector<16xf32>
      %broadcast_in_dim3A_260 = arith.constant 0.000000e+00 : f32
      %broadcast_in_dim3A_261 = vector.broadcast %broadcast_in_dim3A_260 : f32 to vector<16xf32>
      %broadcast_in_dim3A_262 = arith.constant 0.000000e+00 : f32
      %broadcast_in_dim3A_263 = vector.broadcast %broadcast_in_dim3A_262 : f32 to vector<16xf32>
      %broadcast_in_dim3A_264 = arith.constant 0.000000e+00 : f32
      %broadcast_in_dim3A_265 = vector.broadcast %broadcast_in_dim3A_264 : f32 to vector<16xf32>
      %broadcast_in_dim3A_266 = arith.constant 0.000000e+00 : f32
      %broadcast_in_dim3A_267 = vector.broadcast %broadcast_in_dim3A_266 : f32 to vector<16xf32>
      %broadcast_in_dim3A_268 = arith.constant 0.000000e+00 : f32
      %broadcast_in_dim3A_269 = vector.broadcast %broadcast_in_dim3A_268 : f32 to vector<16xf32>
      %scan3A_270 = arith.constant 0 : i32
      %scan3A_271 = arith.constant 50 : i32
      %scan3A_272 = arith.addi %scan3A_270, %scan3A_271 : i32
      %scan3A_273 = arith.constant 2 : i32
      %scan3A_274:8 = scf.for %scan3A_316 = %scan3A_270 to %scan3A_272 step %scan3A_273 iter_args(%scan3A_317 = %broadcast_in_dim3A_255, %scan3A_318 = %broadcast_in_dim3A_257, %scan3A_319 = %broadcast_in_dim3A_259, %scan3A_320 = %broadcast_in_dim3A_261, %scan3A_321 = %broadcast_in_dim3A_263, %scan3A_322 = %broadcast_in_dim3A_265, %scan3A_323 = %broadcast_in_dim3A_267, %scan3A_324 = %broadcast_in_dim3A_269) -> (vector<16xf32>, vector<16xf32>, vector<16xf32>, vector<16xf32>, vector<16xf32>, vector<16xf32>, vector<16xf32>, vector<16xf32>)  : i32 {
        %get3A = arith.index_cast %scan3A_316 : i32 to index
        %get3A_325 = arith.constant 0 : index
        %get3A_326 = tpu.vector_load %arg9[%get3A, %get3A_325] {strides = array<i32>} : memref<50x128xf32, #tpu.memory_space<vmem>>, vector<16xf32>,
        %get3A_327 = arith.index_cast %scan3A_316 : i32 to index
        %get3A_328 = arith.constant 16 : index
        %get3A_329 = tpu.vector_load %arg9[%get3A_327, %get3A_328] {strides = array<i32>} : memref<50x128xf32, #tpu.memory_space<vmem>>, vector<16xf32>,
        %get3A_330 = arith.index_cast %scan3A_316 : i32 to index
        %get3A_331 = arith.constant 32 : index
        %get3A_332 = tpu.vector_load %arg9[%get3A_330, %get3A_331] {strides = array<i32>} : memref<50x128xf32, #tpu.memory_space<vmem>>, vector<16xf32>,
        %get3A_333 = arith.index_cast %scan3A_316 : i32 to index
        %get3A_334 = arith.constant 48 : index
        %get3A_335 = tpu.vector_load %arg9[%get3A_333, %get3A_334] {strides = array<i32>} : memref<50x128xf32, #tpu.memory_space<vmem>>, vector<16xf32>,
        %get3A_336 = arith.index_cast %scan3A_316 : i32 to index
        %get3A_337 = arith.constant 64 : index
        %get3A_338 = tpu.vector_load %arg9[%get3A_336, %get3A_337] {strides = array<i32>} : memref<50x128xf32, #tpu.memory_space<vmem>>, vector<16xf32>,
        %get3A_339 = arith.index_cast %scan3A_316 : i32 to index
        %get3A_340 = arith.constant 80 : index
        %get3A_341 = tpu.vector_load %arg9[%get3A_339, %get3A_340] {strides = array<i32>} : memref<50x128xf32, #tpu.memory_space<vmem>>, vector<16xf32>,
        %get3A_342 = arith.index_cast %scan3A_316 : i32 to index
        %get3A_343 = arith.constant 96 : index
        %get3A_344 = tpu.vector_load %arg9[%get3A_342, %get3A_343] {strides = array<i32>} : memref<50x128xf32, #tpu.memory_space<vmem>>, vector<16xf32>,
        %get3A_345 = arith.index_cast %scan3A_316 : i32 to index
        %get3A_346 = arith.constant 112 : index
        %get3A_347 = tpu.vector_load %arg9[%get3A_345, %get3A_346] {strides = array<i32>} : memref<50x128xf32, #tpu.memory_space<vmem>>, vector<16xf32>,
        %mul3A_348 = arith.mulf %get3A_326, %get3A_326 : vector<16xf32>
        %add3A_349 = arith.addf %scan3A_317, %mul3A_348 : vector<16xf32>
        %mul3A_350 = arith.mulf %get3A_329, %get3A_329 : vector<16xf32>
        %add3A_351 = arith.addf %scan3A_318, %mul3A_350 : vector<16xf32>
        %mul3A_352 = arith.mulf %get3A_332, %get3A_332 : vector<16xf32>
        %add3A_353 = arith.addf %scan3A_319, %mul3A_352 : vector<16xf32>
        %mul3A_354 = arith.mulf %get3A_335, %get3A_335 : vector<16xf32>
        %add3A_355 = arith.addf %scan3A_320, %mul3A_354 : vector<16xf32>
        %mul3A_356 = arith.mulf %get3A_338, %get3A_338 : vector<16xf32>
        %add3A_357 = arith.addf %scan3A_321, %mul3A_356 : vector<16xf32>
        %mul3A_358 = arith.mulf %get3A_341, %get3A_341 : vector<16xf32>
        %add3A_359 = arith.addf %scan3A_322, %mul3A_358 : vector<16xf32>
        %mul3A_360 = arith.mulf %get3A_344, %get3A_344 : vector<16xf32>
        %add3A_361 = arith.addf %scan3A_323, %mul3A_360 : vector<16xf32>
        %mul3A_362 = arith.mulf %get3A_347, %get3A_347 : vector<16xf32>
        %add3A_363 = arith.addf %scan3A_324, %mul3A_362 : vector<16xf32>
        %scan3A_364 = arith.constant 1 : i32
        %scan3A_365 = arith.addi %scan3A_316, %scan3A_364 : i32
        %get3A_366 = arith.index_cast %scan3A_365 : i32 to index
        %get3A_367 = arith.constant 0 : index
        %get3A_368 = tpu.vector_load %arg9[%get3A_366, %get3A_367] {strides = array<i32>} : memref<50x128xf32, #tpu.memory_space<vmem>>, vector<16xf32>,
        %get3A_369 = arith.index_cast %scan3A_365 : i32 to index
        %get3A_370 = arith.constant 16 : index
        %get3A_371 = tpu.vector_load %arg9[%get3A_369, %get3A_370] {strides = array<i32>} : memref<50x128xf32, #tpu.memory_space<vmem>>, vector<16xf32>,
        %get3A_372 = arith.index_cast %scan3A_365 : i32 to index
        %get3A_373 = arith.constant 32 : index
        %get3A_374 = tpu.vector_load %arg9[%get3A_372, %get3A_373] {strides = array<i32>} : memref<50x128xf32, #tpu.memory_space<vmem>>, vector<16xf32>,
        %get3A_375 = arith.index_cast %scan3A_365 : i32 to index
        %get3A_376 = arith.constant 48 : index
        %get3A_377 = tpu.vector_load %arg9[%get3A_375, %get3A_376] {strides = array<i32>} : memref<50x128xf32, #tpu.memory_space<vmem>>, vector<16xf32>,
        %get3A_378 = arith.index_cast %scan3A_365 : i32 to index
        %get3A_379 = arith.constant 64 : index
        %get3A_380 = tpu.vector_load %arg9[%get3A_378, %get3A_379] {strides = array<i32>} : memref<50x128xf32, #tpu.memory_space<vmem>>, vector<16xf32>,
        %get3A_381 = arith.index_cast %scan3A_365 : i32 to index
        %get3A_382 = arith.constant 80 : index
        %get3A_383 = tpu.vector_load %arg9[%get3A_381, %get3A_382] {strides = array<i32>} : memref<50x128xf32, #tpu.memory_space<vmem>>, vector<16xf32>,
        %get3A_384 = arith.index_cast %scan3A_365 : i32 to index
        %get3A_385 = arith.constant 96 : index
        %get3A_386 = tpu.vector_load %arg9[%get3A_384, %get3A_385] {strides = array<i32>} : memref<50x128xf32, #tpu.memory_space<vmem>>, vector<16xf32>,
        %get3A_387 = arith.index_cast %scan3A_365 : i32 to index
        %get3A_388 = arith.constant 112 : index
        %get3A_389 = tpu.vector_load %arg9[%get3A_387, %get3A_388] {strides = array<i32>} : memref<50x128xf32, #tpu.memory_space<vmem>>, vector<16xf32>,
        %mul3A_390 = arith.mulf %get3A_368, %get3A_368 : vector<16xf32>
        %add3A_391 = arith.addf %add3A_349, %mul3A_390 : vector<16xf32>
        %mul3A_392 = arith.mulf %get3A_371, %get3A_371 : vector<16xf32>
        %add3A_393 = arith.addf %add3A_351, %mul3A_392 : vector<16xf32>
        %mul3A_394 = arith.mulf %get3A_374, %get3A_374 : vector<16xf32>
        %add3A_395 = arith.addf %add3A_353, %mul3A_394 : vector<16xf32>
        %mul3A_396 = arith.mulf %get3A_377, %get3A_377 : vector<16xf32>
        %add3A_397 = arith.addf %add3A_355, %mul3A_396 : vector<16xf32>
        %mul3A_398 = arith.mulf %get3A_380, %get3A_380 : vector<16xf32>
        %add3A_399 = arith.addf %add3A_357, %mul3A_398 : vector<16xf32>
        %mul3A_400 = arith.mulf %get3A_383, %get3A_383 : vector<16xf32>
        %add3A_401 = arith.addf %add3A_359, %mul3A_400 : vector<16xf32>
        %mul3A_402 = arith.mulf %get3A_386, %get3A_386 : vector<16xf32>
        %add3A_403 = arith.addf %add3A_361, %mul3A_402 : vector<16xf32>
        %mul3A_404 = arith.mulf %get3A_389, %get3A_389 : vector<16xf32>
        %add3A_405 = arith.addf %add3A_363, %mul3A_404 : vector<16xf32>
        scf.yield %add3A_391, %add3A_393, %add3A_395, %add3A_397, %add3A_399, %add3A_401, %add3A_403, %add3A_405 : vector<16xf32>, vector<16xf32>, vector<16xf32>, vector<16xf32>, vector<16xf32>, vector<16xf32>, vector<16xf32>, vector<16xf32>
      }
      %scan3A_275 = arith.constant 50 : i32
      %rem3A_276 = arith.constant 64 : i32
      %rem3A_277 = arith.remsi %add3A_247, %rem3A_276 : i32
      %swap3A_278 = arith.index_cast %rem3A_277 : i32 to index
      %swap3A_279 = arith.constant 0 : index
      %swap3A_280 = tpu.vector_load %arg10[%swap3A_278, %swap3A_279] {strides = array<i32>} : memref<64x128xf32, #tpu.memory_space<vmem>>, vector<16xf32>,
      tpu.vector_store %arg10[%swap3A_278, %swap3A_279], %scan3A_274#0 {strides = array<i32>} : memref<64x128xf32, #tpu.memory_space<vmem>>, vector<16xf32>,
      %swap3A_281 = arith.index_cast %rem3A_277 : i32 to index
      %swap3A_282 = arith.constant 16 : index
      %swap3A_283 = tpu.vector_load %arg10[%swap3A_281, %swap3A_282] {strides = array<i32>} : memref<64x128xf32, #tpu.memory_space<vmem>>, vector<16xf32>,
      tpu.vector_store %arg10[%swap3A_281, %swap3A_282], %scan3A_274#1 {strides = array<i32>} : memref<64x128xf32, #tpu.memory_space<vmem>>, vector<16xf32>,
      %swap3A_284 = arith.index_cast %rem3A_277 : i32 to index
      %swap3A_285 = arith.constant 32 : index
      %swap3A_286 = tpu.vector_load %arg10[%swap3A_284, %swap3A_285] {strides = array<i32>} : memref<64x128xf32, #tpu.memory_space<vmem>>, vector<16xf32>,
      tpu.vector_store %arg10[%swap3A_284, %swap3A_285], %scan3A_274#2 {strides = array<i32>} : memref<64x128xf32, #tpu.memory_space<vmem>>, vector<16xf32>,
      %swap3A_287 = arith.index_cast %rem3A_277 : i32 to index
      %swap3A_288 = arith.constant 48 : index
      %swap3A_289 = tpu.vector_load %arg10[%swap3A_287, %swap3A_288] {strides = array<i32>} : memref<64x128xf32, #tpu.memory_space<vmem>>, vector<16xf32>,
      tpu.vector_store %arg10[%swap3A_287, %swap3A_288], %scan3A_274#3 {strides = array<i32>} : memref<64x128xf32, #tpu.memory_space<vmem>>, vector<16xf32>,
      %swap3A_290 = arith.index_cast %rem3A_277 : i32 to index
      %swap3A_291 = arith.constant 64 : index
      %swap3A_292 = tpu.vector_load %arg10[%swap3A_290, %swap3A_291] {strides = array<i32>} : memref<64x128xf32, #tpu.memory_space<vmem>>, vector<16xf32>,
      tpu.vector_store %arg10[%swap3A_290, %swap3A_291], %scan3A_274#4 {strides = array<i32>} : memref<64x128xf32, #tpu.memory_space<vmem>>, vector<16xf32>,
      %swap3A_293 = arith.index_cast %rem3A_277 : i32 to index
      %swap3A_294 = arith.constant 80 : index
      %swap3A_295 = tpu.vector_load %arg10[%swap3A_293, %swap3A_294] {strides = array<i32>} : memref<64x128xf32, #tpu.memory_space<vmem>>, vector<16xf32>,
      tpu.vector_store %arg10[%swap3A_293, %swap3A_294], %scan3A_274#5 {strides = array<i32>} : memref<64x128xf32, #tpu.memory_space<vmem>>, vector<16xf32>,
      %swap3A_296 = arith.index_cast %rem3A_277 : i32 to index
      %swap3A_297 = arith.constant 96 : index
      %swap3A_298 = tpu.vector_load %arg10[%swap3A_296, %swap3A_297] {strides = array<i32>} : memref<64x128xf32, #tpu.memory_space<vmem>>, vector<16xf32>,
      tpu.vector_store %arg10[%swap3A_296, %swap3A_297], %scan3A_274#6 {strides = array<i32>} : memref<64x128xf32, #tpu.memory_space<vmem>>, vector<16xf32>,
      %swap3A_299 = arith.index_cast %rem3A_277 : i32 to index
      %swap3A_300 = arith.constant 112 : index
      %swap3A_301 = tpu.vector_load %arg10[%swap3A_299, %swap3A_300] {strides = array<i32>} : memref<64x128xf32, #tpu.memory_space<vmem>>, vector<16xf32>,
      tpu.vector_store %arg10[%swap3A_299, %swap3A_300], %scan3A_274#7 {strides = array<i32>} : memref<64x128xf32, #tpu.memory_space<vmem>>, vector<16xf32>,
      %add3A_302 = arith.constant 4 : i32
      %add3A_303 = arith.addi %add3A_247, %add3A_302 : i32
      %lt3A_304 = arith.constant 512 : i32
      %lt3A_305 = arith.cmpi slt, %add3A_303, %lt3A_304 : i32
      %convert_element_type3A_306 = arith.extui %lt3A_305 : i1 to i32
      %cond3A_307 = arith.constant 0 : i32
      %cond3A_308 = arith.cmpi ne, %convert_element_type3A_306, %cond3A_307 : i32
      scf.if %cond3A_308 {
        %add3A_316 = arith.constant 4 : i32
        %add3A_317 = arith.addi %add3A_247, %add3A_316 : i32
        %dma_start3A_318 = arith.constant 0 : i32
        %dma_start3A_319 = tpu.memref_slice %arg5[%add3A_317, %dma_start3A_318] : memref<512x128xi32, #tpu.memory_space<vmem>> -> memref<1x50xi32, #tpu.memory_space<vmem>>
        %dma_start3A_320 = tpu.memref_squeeze %dma_start3A_319 : memref<1x50xi32, #tpu.memory_space<vmem>> -> memref<50xi32, #tpu.memory_space<vmem>>
        %dma_start3A_321 = arith.constant 0 : i32
        %dma_start3A_322 = arith.constant 0 : i32
        %dma_start3A_323 = tpu.memref_slice %arg2[%dma_start3A_321, %dma_start3A_322] : memref<100000x128xf32, #tpu.memory_space<hbm>> -> memref<100000x128xf32, #tpu.memory_space<hbm>>
        tpu.enqueue_indirect_dma source(%dma_start3A_323 : memref<100000x128xf32, #tpu.memory_space<hbm>>) target(%arg9 : memref<50x128xf32, #tpu.memory_space<vmem>>) offsets(%dma_start3A_320 : memref<50xi32, #tpu.memory_space<vmem>>) semaphore(%arg14 : memref<!tpu.dma_semaphore, #tpu.memory_space<semaphore_mem>>)
      } else {
      }
      %rem3A_309 = arith.constant 64 : i32
      %rem3A_310 = arith.remsi %add3A_247, %rem3A_309 : i32
      %eq3A_311 = arith.constant 63 : i32
      %eq3A_312 = arith.cmpi eq, %rem3A_310, %eq3A_311 : i32
      %convert_element_type3A_313 = arith.extui %eq3A_312 : i1 to i32
      %cond3A_314 = arith.constant 0 : i32
      %cond3A_315 = arith.cmpi ne, %convert_element_type3A_313, %cond3A_314 : i32
      scf.if %cond3A_315 {
        %mul3A_316 = arith.constant 512 : i32
        %mul3A_317 = arith.muli %add3A, %mul3A_316 : i32
        %add3A_318 = arith.addi %mul3A_317, %add3A_247 : i32
        %sub3A = arith.constant 63 : i32
        %sub3A_319 = arith.subi %add3A_318, %sub3A : i32
        %multiple_of3A = tpu.assume_multiple %sub3A_319, 64 : i32
        "tpu.region"() ({
          %run_scoped3A = tpu.sem_alloc : memref<!tpu.dma_semaphore, #tpu.memory_space<semaphore_mem>>
          %dma_start3A_320 = arith.constant 0 : i32
          %dma_start3A_321 = tpu.memref_slice %arg4[%multiple_of3A, %dma_start3A_320] : memref<16384x128xf32, #tpu.memory_space<hbm>> -> memref<64x128xf32, #tpu.memory_space<hbm>>
          %dma_start3A_322 = arith.constant 0 : i32
          %dma_start3A_323 = tpu.memref_slice %arg4[%multiple_of3A, %dma_start3A_322] : memref<16384x128xf32, #tpu.memory_space<hbm>> -> memref<64x128xf32, #tpu.memory_space<hbm>>
          tpu.enqueue_dma source(%arg10 : memref<64x128xf32, #tpu.memory_space<vmem>>) target(%dma_start3A_323 : memref<64x128xf32, #tpu.memory_space<hbm>>) target_semaphore(%run_scoped3A : memref<!tpu.dma_semaphore, #tpu.memory_space<semaphore_mem>>)
          %dma_wait3A_324 = arith.constant 0 : i32
          %dma_wait3A_325 = tpu.memref_slice %arg4[%multiple_of3A, %dma_wait3A_324] : memref<16384x128xf32, #tpu.memory_space<hbm>> -> memref<64x128xf32, #tpu.memory_space<hbm>>
          %dma_wait3A_326 = arith.constant 0 : i32
          %dma_wait3A_327 = tpu.memref_slice %arg4[%multiple_of3A, %dma_wait3A_326] : memref<16384x128xf32, #tpu.memory_space<hbm>> -> memref<64x128xf32, #tpu.memory_space<hbm>>
          tpu.wait_dma2 semaphore(%run_scoped3A : memref<!tpu.dma_semaphore, #tpu.memory_space<semaphore_mem>>) src(%arg10 : memref<64x128xf32, #tpu.memory_space<vmem>>) dst(%dma_wait3A_327 : memref<64x128xf32, #tpu.memory_space<hbm>>)
          tpu.yield
        }) : () -> ()
      } else {
      }
    }
    %scan3A_34 = arith.constant 128 : i32
    return
  }
}

module attributes {stable_mosaic.version = 14 : i64} {
  func.func @mlp(%arg0: i32, %arg1: memref<4096x128xf32, #tpu.memory_space<vmem>>, %arg2: memref<128x256xf32, #tpu.memory_space<vmem>>, %arg3: memref<1x256xf32, #tpu.memory_space<vmem>>, %arg4: memref<256x256xf32, #tpu.memory_space<vmem>>, %arg5: memref<1x256xf32, #tpu.memory_space<vmem>>, %arg6: memref<256x128xf32, #tpu.memory_space<vmem>>, %arg7: memref<1x128xf32, #tpu.memory_space<vmem>>, %arg8: memref<4096x100xf32, #tpu.memory_space<vmem>>) attributes {dimension_semantics = [#tpu.dimension_semantics<arbitrary>], iteration_bounds = array<i64: 4>, scalar_prefetch = 0 : i64, scratch_operands = 0 : i64, tpu.core_type = #tpu.core_type<tc>, window_params = [{transform_indices = @transform_0, window_bounds = array<i64: 4096, 128>}, {pipeline_mode = #tpu.pipeline_mode<synchronous>, transform_indices = @transform_1, window_bounds = array<i64: 128, 256>}, {pipeline_mode = #tpu.pipeline_mode<synchronous>, transform_indices = @transform_2, window_bounds = array<i64: 1, 256>}, {pipeline_mode = #tpu.pipeline_mode<synchronous>, transform_indices = @transform_3, window_bounds = array<i64: 256, 256>}, {pipeline_mode = #tpu.pipeline_mode<synchronous>, transform_indices = @transform_4, window_bounds = array<i64: 1, 256>}, {pipeline_mode = #tpu.pipeline_mode<synchronous>, transform_indices = @transform_5, window_bounds = array<i64: 256, 128>}, {pipeline_mode = #tpu.pipeline_mode<synchronous>, transform_indices = @transform_6, window_bounds = array<i64: 1, 128>}, {transform_indices = @transform_7, window_bounds = array<i64: 4096, 100>}]} {
    %get3A = arith.constant 0 : index
    %get3A_0 = arith.constant 0 : index
    %get3A_1 = vector.load %arg1[%get3A, %get3A_0] : memref<4096x128xf32, #tpu.memory_space<vmem>>, vector<4096x128xf32>
    %mul3A = arith.constant 1.280000e+02 : f32
    %mul3A_2 = vector.broadcast %mul3A : f32 to vector<4096x128xf32>
    %mul3A_3 = arith.mulf %get3A_1, %mul3A_2 : vector<4096x128xf32>
    %sqrt3A = math.sqrt %mul3A_3 : vector<4096x128xf32>
    %get3A_4 = arith.constant 0 : index
    %get3A_5 = arith.constant 0 : index
    %get3A_6 = vector.load %arg2[%get3A_4, %get3A_5] : memref<128x256xf32, #tpu.memory_space<vmem>>, vector<128x256xf32>
    %dot_general3A = arith.constant dense<0.000000e+00> : vector<4096x256xf32>
    %dot_general3A_7 = tpu.matmul %sqrt3A, %get3A_6, %dot_general3A {dimension_numbers = #tpu.dot_dimension_numbers<[1], [0], [0], [1], [0, 0, 1, 1], [], []>, transpose_lhs_hint = false} : vector<4096x128xf32>, vector<128x256xf32>, vector<4096x256xf32> -> vector<4096x256xf32>
    %get3A_8 = arith.constant 0 : index
    %get3A_9 = arith.constant 0 : index
    %get3A_10 = vector.load %arg3[%get3A_8, %get3A_9] : memref<1x256xf32, #tpu.memory_space<vmem>>, vector<1x256xf32>
    %add3A = vector.broadcast %get3A_10 : vector<1x256xf32> to vector<4096x256xf32>
    %add3A_11 = arith.addf %dot_general3A_7, %add3A : vector<4096x256xf32>
    %max3A = arith.constant 0.000000e+00 : f32
    %max3A_12 = vector.broadcast %max3A : f32 to vector<4096x256xf32>
    %max3A_13 = arith.maximumf %add3A_11, %max3A_12 : vector<4096x256xf32>
    %get3A_14 = arith.constant 0 : index
    %get3A_15 = arith.constant 0 : index
    %get3A_16 = vector.load %arg4[%get3A_14, %get3A_15] : memref<256x256xf32, #tpu.memory_space<vmem>>, vector<256x256xf32>
    %dot_general3A_17 = arith.constant dense<0.000000e+00> : vector<4096x256xf32>
    %dot_general3A_18 = tpu.matmul %max3A_13, %get3A_16, %dot_general3A_17 {dimension_numbers = #tpu.dot_dimension_numbers<[1], [0], [0], [1], [0, 0, 1, 1], [], []>, transpose_lhs_hint = false} : vector<4096x256xf32>, vector<256x256xf32>, vector<4096x256xf32> -> vector<4096x256xf32>
    %get3A_19 = arith.constant 0 : index
    %get3A_20 = arith.constant 0 : index
    %get3A_21 = vector.load %arg5[%get3A_19, %get3A_20] : memref<1x256xf32, #tpu.memory_space<vmem>>, vector<1x256xf32>
    %add3A_22 = vector.broadcast %get3A_21 : vector<1x256xf32> to vector<4096x256xf32>
    %add3A_23 = arith.addf %dot_general3A_18, %add3A_22 : vector<4096x256xf32>
    %max3A_24 = arith.constant 0.000000e+00 : f32
    %max3A_25 = vector.broadcast %max3A_24 : f32 to vector<4096x256xf32>
    %max3A_26 = arith.maximumf %add3A_23, %max3A_25 : vector<4096x256xf32>
    %get3A_27 = arith.constant 0 : index
    %get3A_28 = arith.constant 0 : index
    %get3A_29 = vector.load %arg6[%get3A_27, %get3A_28] : memref<256x128xf32, #tpu.memory_space<vmem>>, vector<256x128xf32>
    %dot_general3A_30 = arith.constant dense<0.000000e+00> : vector<4096x128xf32>
    %dot_general3A_31 = tpu.matmul %max3A_26, %get3A_29, %dot_general3A_30 {dimension_numbers = #tpu.dot_dimension_numbers<[1], [0], [0], [1], [0, 0, 1, 1], [], []>, transpose_lhs_hint = false} : vector<4096x256xf32>, vector<256x128xf32>, vector<4096x128xf32> -> vector<4096x128xf32>
    %get3A_32 = arith.constant 0 : index
    %get3A_33 = arith.constant 0 : index
    %get3A_34 = vector.load %arg7[%get3A_32, %get3A_33] : memref<1x128xf32, #tpu.memory_space<vmem>>, vector<1x128xf32>
    %add3A_35 = vector.broadcast %get3A_34 : vector<1x128xf32> to vector<4096x128xf32>
    %add3A_36 = arith.addf %dot_general3A_31, %add3A_35 : vector<4096x128xf32>
    %slice3A = vector.extract_strided_slice %add3A_36 {offsets = [0, 0], sizes = [4096, 100], strides = [1, 1]} : vector<4096x128xf32> to vector<4096x100xf32>
    %swap3A = arith.constant 0 : index
    %swap3A_37 = arith.constant 0 : index
    %swap3A_38 = vector.load %arg8[%swap3A, %swap3A_37] : memref<4096x100xf32, #tpu.memory_space<vmem>>, vector<4096x100xf32>
    tpu.vector_store %arg8[%swap3A, %swap3A_37], %slice3A {strides = array<i32>} : memref<4096x100xf32, #tpu.memory_space<vmem>>, vector<4096x100xf32>,
    return
  }
  func.func @transform_0(%arg0: i32) -> (i32, i32) {
    %c0_i32 = arith.constant 0 : i32
    %c0_i32_0 = arith.constant 0 : i32
    return %arg0, %c0_i32 : i32, i32
  }
  func.func @transform_1(%arg0: i32) -> (i32, i32) {
    %c0_i32 = arith.constant 0 : i32
    %c0_i32_0 = arith.constant 0 : i32
    %c0_i32_1 = arith.constant 0 : i32
    return %c0_i32, %c0_i32_0 : i32, i32
  }
  func.func @transform_2(%arg0: i32) -> (i32, i32) {
    %c0_i32 = arith.constant 0 : i32
    %c0_i32_0 = arith.constant 0 : i32
    %c0_i32_1 = arith.constant 0 : i32
    return %c0_i32, %c0_i32_0 : i32, i32
  }
  func.func @transform_3(%arg0: i32) -> (i32, i32) {
    %c0_i32 = arith.constant 0 : i32
    %c0_i32_0 = arith.constant 0 : i32
    %c0_i32_1 = arith.constant 0 : i32
    return %c0_i32, %c0_i32_0 : i32, i32
  }
  func.func @transform_4(%arg0: i32) -> (i32, i32) {
    %c0_i32 = arith.constant 0 : i32
    %c0_i32_0 = arith.constant 0 : i32
    %c0_i32_1 = arith.constant 0 : i32
    return %c0_i32, %c0_i32_0 : i32, i32
  }
  func.func @transform_5(%arg0: i32) -> (i32, i32) {
    %c0_i32 = arith.constant 0 : i32
    %c0_i32_0 = arith.constant 0 : i32
    %c0_i32_1 = arith.constant 0 : i32
    return %c0_i32, %c0_i32_0 : i32, i32
  }
  func.func @transform_6(%arg0: i32) -> (i32, i32) {
    %c0_i32 = arith.constant 0 : i32
    %c0_i32_0 = arith.constant 0 : i32
    %c0_i32_1 = arith.constant 0 : i32
    return %c0_i32, %c0_i32_0 : i32, i32
  }
  func.func @transform_7(%arg0: i32) -> (i32, i32) {
    %c0_i32 = arith.constant 0 : i32
    %c0_i32_0 = arith.constant 0 : i32
    return %arg0, %c0_i32 : i32, i32
  }
}

</mosaic_0001>

<sc_bundles>
// kernel: kernel.4.cloned.1.call-start
scs
__scs_entry_jumppad:
0x0: {  	(pc) =	sbr.rel $0x88, $3  }
0x1: {  	(tag) =	ssettag $0x0;
	lr =	simm.s32 $0x1  }
0x2: {  	[smem:$0x3F99] =	sst lr;
	_ =	strace $0xD0000000  }
0x3: {  	_ = 	snop  }
0x4: {  	_ = 	snop  }
0x5: {  	_ = 	snop  }
0x6: {  	_ = 	snop  }
0x7: {  	_ = 	snop  }
__scs_overlays_trampoline_lowered:
0x8: {  	[smem:$0x3FA8] =	sst s0  }
0x9: {  	[smem:$0x3FA9] =	sst s1  }
0xa: {  	[smem:$0x3FAA] =	sst s2  }
0xb: {  	[smem:$0x3FAB] =	sst s3  }
0xc: {  	[smem:$0x3FAC] =	sst s4  }
0xd: {  	[smem:$0x3FAD] =	sst s5  }
0xe: {  	[smem:$0x3FAE] =	sst s6  }
0xf: {  	[smem:$0x3FAF] =	sst s7  }
0x10: {  	[smem:$0x3FB0] =	sst s8  }
0x11: {  	[smem:$0x3FB1] =	sst s9;
	s0 =	simm.s32 @!p0 $0x0  }
0x12: {  	s1 =	sld [smem:$0x3F97];
	s0 =	simm.s32 @p0 $0x1  }
0x13: {  	[smem:$0x3FB2] =	sst s0;
	s0 =	simm.s32 @!p1 $0x0  }
0x14: {  	s2 =	sld [smem:$0x3F96];
	s0 =	simm.s32 @p1 $0x1  }
0x15: {  	[smem:$0x3FB3] =	sst s0;
	s0 =	simm.s32 @!p2 $0x0  }
0x16: {  	s3 =	sld [smem:$0x3FDB];
	s0 =	simm.s32 @p2 $0x1  }
0x17: {  	s4 =	simm.s32 $0x1BF5;
	[smem:$0x3FB5] =	sst s0  }
0x18: {  	s0 =	sld [smem:$0x3F98];
	_ =	swait.ge [sflag:s4], $0x0  }
0x19: {  	s7 =	sld [smem:$0x3F99]  }
0x1a: {  	s8 =	sadd.s32 $0xFFFFE003, lr  }
0x1b: {  	s9 =	sadd.s32 $0xFFFFFEF7, lr;
	s5 =	simm.s32 $0xFFFFFFFF;
	p2 =	slt.u32 s8, $0xFFFFF086  }
0x1c: {  	p1 =	slt.u32 s9, $0xF7A;
	s5 =	simm.s32 @!p2 $0x0  }
0x1d: {  	s5 =	simm.s32 @p1 $0x1;
	p0 =	seq.s32 s7, s2  }
0x1e: {  	s7 =	smul.u32 @!p0 $0xF7A, s2;
	p2 =	seq.s32 @!p0 s5, $0x0  }
0x1f: {  	s9 =	smul.u32 $0xF7A, s1;
	s8 =	simm.s32 @!p0 $0x1BF5;
	p2 =	por !p2, p0  }
0x20: {  	[sflag:s8] =	ssyncset.s32 @!p0 $0xFFFFF086;
	s6 =	sadd.s32 @!p0 s3, s7;
	s7 =	simm.s32 @!p0 $0x108  }
0x21: {  	s3 =	sadd.s32 s3, s9;
	s6 =	sadd.s32 @!p0 $0x88, s6;
	s7 =	simm.s32 @p2 $0x1082  }
0x22: {  	[simem:s7], [sflag:s8] =	dma.local @!p0 [hbm:s6], $0xF7A  }
0x23: {  	s9 =	sor.u32 $0xD0000000, s2;
	s6 =	simm.s32 $0x108;
	_ =	swait.ge @!p0 [sflag:s8], $0x0  }
0x24: {  	s3 =	sadd.s32 $0x88, s3;
	s6 =	simm.s32 @!p1 $0x1082;
	[sflag:s4] =	ssyncset.s32 $0xFFFFF086  }
0x25: {  	[simem:s6], [sflag:s4] =	dma.local [hbm:s3], $0xF7A  }
0x26: {  	[smem:$0x3F99] =	sst s1;
	(tag) =	ssettag s2;
	_ =	strace s9  }
0x27: {  	s1 =	sld [smem:$0x3FA9]  }
0x28: {  	s2 =	sld [smem:$0x3FAA]  }
0x29: {  	s4 =	sld [smem:$0x3FAC]  }
0x2a: {  	p0 =	seq.s32 s5, $0x0;
	s5 =	sld [smem:$0x3FAD]  }
0x2b: {  	s6 =	sld [smem:$0x3FAE]  }
0x2c: {  	s7 =	sld [smem:$0x3FAF]  }
0x2d: {  	s3 =	simm.s32 $0x108;
	s8 =	sld [smem:$0x3FB0]  }
0x2e: {  	s3 =	simm.s32 @!p0 $0x1082;
	s9 =	sld [smem:$0x3FB1]  }
0x2f: {  	lr =	sadd.s32 s0, s3;
	s0 =	sld [smem:$0x3FA8]  }
0x30: {  	s3 =	sld [smem:$0x3FAB]  }
0x31: {  	[smem:$0x3FB4] =	sst s10  }
0x32: {  	s10 =	sld [smem:$0x3FB2];
	_ =	sdelay $0x3  }
0x33: {  	p0 =	seq.s32 s10, $0x1;
	s10 =	sld [smem:$0x3FB4];
	_ =	sdelay $0x3  }
0x34: {  	[smem:$0x3FB4] =	sst s10  }
0x35: {  	s10 =	sld [smem:$0x3FB3];
	_ =	sdelay $0x3  }
0x36: {  	p1 =	seq.s32 s10, $0x1;
	s10 =	sld [smem:$0x3FB4];
	_ =	sdelay $0x3  }
0x37: {  	[smem:$0x3FB4] =	sst s10  }
0x38: {  	s10 =	sld [smem:$0x3FB5]  }
0x39: {  	_ = 	snop;
	(pc) =	sbr.ind lr, $3  }
0x3a: {  	_ = 	snop  }
0x3b: {  	_ = 	snop  }
0x3c: {  	p2 =	seq.s32 s10, $0x1;
	s10 =	sld [smem:$0x3FB4]  }
0x3d: {  	_ =	shalt  }
0x3e: {  	_ =	shalt  }
0x3f: {  	_ =	shalt  }
0x40: {  	_ =	shalt  }
0x41: {  	_ =	shalt  }
0x42: {  	_ =	shalt  }
0x43: {  	_ =	shalt  }
0x44: {  	_ =	shalt  }
0x45: {  	_ =	shalt  }
0x46: {  	_ =	shalt  }
0x47: {  	_ =	shalt  }
0x48: {  	_ =	shalt  }
0x49: {  	_ =	shalt  }
0x4a: {  	_ =	shalt  }
0x4b: {  	_ =	shalt  }
0x4c: {  	_ =	shalt  }
0x4d: {  	_ =	shalt  }
0x4e: {  	_ =	shalt  }
0x4f: {  	_ =	shalt  }
0x50: {  	_ =	shalt  }
0x51: {  	_ =	shalt  }
0x52: {  	_ =	shalt  }
0x53: {  	_ =	shalt  }
0x54: {  	_ =	shalt  }
0x55: {  	_ =	shalt  }
0x56: {  	_ =	shalt  }
0x57: {  	_ =	shalt  }
0x58: {  	_ =	shalt  }
0x59: {  	_ =	shalt  }
0x5a: {  	_ =	shalt  }
0x5b: {  	_ =	shalt  }
0x5c: {  	_ =	shalt  }
0x5d: {  	_ =	shalt  }
0x5e: {  	_ =	shalt  }
0x5f: {  	_ =	shalt  }
0x60: {  	_ =	shalt  }
0x61: {  	_ =	shalt  }
0x62: {  	_ =	shalt  }
0x63: {  	_ =	shalt  }
0x64: {  	_ =	shalt  }
0x65: {  	_ =	shalt  }
0x66: {  	_ =	shalt  }
0x67: {  	_ =	shalt  }
0x68: {  	_ =	shalt  }
0x69: {  	_ =	shalt  }
0x6a: {  	_ =	shalt  }
0x6b: {  	_ =	shalt  }
0x6c: {  	_ =	shalt  }
0x6d: {  	_ =	shalt  }
0x6e: {  	_ =	shalt  }
0x6f: {  	_ =	shalt  }
0x70: {  	_ =	shalt  }
0x71: {  	_ =	shalt  }
0x72: {  	_ =	shalt  }
0x73: {  	_ =	shalt  }
0x74: {  	_ =	shalt  }
0x75: {  	_ =	shalt  }
0x76: {  	_ =	shalt  }
0x77: {  	_ =	shalt  }
0x78: {  	_ =	shalt  }
0x79: {  	_ =	shalt  }
0x7a: {  	_ =	shalt  }
0x7b: {  	_ =	shalt  }
0x7c: {  	_ =	shalt  }
0x7d: {  	_ =	shalt  }
0x7e: {  	_ =	shalt  }
0x7f: {  	_ =	shalt  }
0x80: {  	_ =	shalt  }
0x81: {  	_ =	shalt  }
0x82: {  	_ =	shalt  }
0x83: {  	_ =	shalt  }
0x84: {  	_ =	shalt  }
0x85: {  	_ =	shalt  }
0x86: {  	_ =	shalt  }
0x87: {  	_ =	shalt  }
.Lfunc_end0:
.L_simem_size_0:
called_computation_lowered:
.L_overlay_start_0:
0x88: {  	s2 =	sld [smem:$0x3FD9]  }
0x89: {  	s3 =	sld [smem:$0x3FFE];
	_ =	sdelay $0x1  }
0x8a: {  	s1 =	srdreg.scid  }
0x8b: {  	s0 =	sand.u32 $0x1, s1  }
0x8c: {  	s17 =	sshll.u32 s0, $0xA;
	s2 =	sadd.s32 s3, s2  }
0x8d: {  	s2 =	sadd.s32 s2, s17  }
0x8e: {  	[smem:$0x3FC0] =	sst s2  }
0x8f: {  	_ = 	snop  }
0x90: {  	s2 =	sld [smem:$0x3FC8];
	(tm) =	ssettm $0x1  }
0x91: {  	s18 =	sld [smem:$0x3FFB];
	_ =	sdelay $0x3  }
0x92: {  	_ =	strace s18  }
0x93: {  	s3 =	sld [smem:$0x3FFC];
	_ =	sdelay $0x3  }
0x94: {  	_ =	strace s3  }
0x95: {  	s3 =	sld [smem:$0x3FFD];
	_ =	sdelay $0x3  }
0x96: {  	_ =	strace s3  }
0x97: {  	_ =	strace $0x8FFFFFFF  }
0x98: {  	s19 =	sld [smem:$0x3FDB];
	_ =	sdelay $0x1  }
0x99: {  	s4 =	simm.s32 $_scs_section_size  }
0x9a: {  	s5 =	simm.s32 $_size__tile_overlayer_lowered;
	s6 =	simm.s32 $_tile_overlayer_lowered  }
0x9b: {  	s22 =	simm.s32 $0x1BFF;
	s21 =	sshll.u32 s6, $0x1;
	s3 =	sadd.s32 s4, s19  }
0x9c: {  	s7 =	simm.s32 $0x0;
	s20 =	sshll.u32 s5, $0x1;
	s5 =	sadd.s32 s21, s3  }
0x9d: {  	[timem:s7], [sflag:s22] =	dma.local [hbm:s5], s20  }
0x9e: {  	_ =	swait.ge [sflag:s22], s20  }
0x9f: {  	s4 =	ssub.s32 $0x0, s20;
	[sflag:s22] =	ssyncset.done $0x0  }
0xa0: {  	[sflag:s22] =	ssyncadd.s32 s4;
	_ =	sdelay $0x1  }
0xa1: {  	s23 =	simm.s32 $0x1B8B  }
0xa2: {  	_ =	swait.ge [sflag:s23], $0x1  }
0xa3: {  	[sflag:s23] =	ssyncset.done $0x0  }
0xa4: {  	s25 =	simm.s32 $0x1B8E;
	s24 =	sld [smem:$0x3FFE];
	[sflag:s23] =	ssyncadd.s32 $0xFFFFFFFF  }
0xa5: {  	s26 =	simm.s32 $execute0_lowered;
	[smem:$0x3FD2] =	sst s25  }
0xa6: {  	s5 =	sshll.u32 s26, $0x1;
	_ =	strace $0x80000046;
	[dreg:$0x1] =	wrdreg $0xFFFFFFFF  }
0xa7: {  	s28 =	simm.s32 $_size_execute0_lowered;
	s3 =	sadd.s32 s3, s5;
	[dreg:$0x0] =	wrdreg $0x0  }
0xa8: {  	s5 =	sshll.u32 s28, $0x1;
	[dreg:$0x2] =	wrdreg s3  }
0xa9: {  	[dreg:$0x3] =	wrdreg s5  }
0xaa: {  	[dreg:$0x4] =	wrdreg $0xC0  }
0xab: {  	_ =	task [dreg:s7], $0x5FFFF  }
0xac: {  	[dreg:$0x1] =	wrdreg $0xFFFFFFFF  }
0xad: {  	[dreg:$0x0] =	wrdreg $0x60  }
0xae: {  	[dreg:$0x2] =	wrdreg s2  }
0xaf: {  	[dreg:$0x3] =	wrdreg s24  }
0xb0: {  	[dreg:$0x4] =	wrdreg $0x9  }
0xb1: {  	_ =	task.clear_ibuf [dreg:s7], $0x5FFFF;
	_ =	strace $0x90000046  }
0xb2: {  	s29 =	simm.s32 $0x9;
	_ =	strace $0x80000048  }
0xb3: {  	_ =	swait.ge [sflag:s29], $0x1  }
0xb4: {  	[sflag:s29] =	ssyncadd.s32 $0xFFFFFFFF  }
0xb5: {  	_ =	strace $0x90000048  }
0xb6: {  	_ =	sfence  }
0xb7: {  	s30 =	sld [smem:$0x0];
	_ =	sdelay $0x2  }
0xb8: {  	s31 =	sshll.u32 s1, $0xD;
	s1 =	sshrl.u32 s1, $0x2  }
0xb9: {  	s3 =	sand.u32 $0x4000, s31;
	s1 =	sadd.s32 s1, s30  }
0xba: {  	s0 =	sor.u32 s3, s0;
	s1 =	sshll.u32 s1, $0x11  }
0xbb: {  	s0 =	sor.u32 s1, s0  }
0xbc: {  	s0 =	sadd.s32 $0x8F2B, s0  }
0xbd: {  	[sflag:s0] =	ssyncadd.remote.s32 $0x1  }
0xbe: {  	_ =	sfence.sel $0xFFFF  }
0xbf: {  	[dreg:$0x0] =	wrdreg $0xFFFFFFFF;
	(pc) =	sbr.abs _section_cstart, $3  }
0xc0: {  	[dreg:$0x1] =	wrdreg $0xFFFFFFFF  }
0xc1: {  	_ =	task.clear_ibuf [dreg:s7], $0x2FFFF;
	_ =	strace $0x9FFFFFFF  }
0xc2: {  	(tm) =	ssettm $0x7FFFFFFF  }
0xc3: {  	_ =	shalt  }
tec
execute0_lowered:
.L_overlay_start_1:
0x0: {  	(tag) =	ssettag $0x1  }
0x1: {  	s1 =	srdreg.scid;
	s2 =	rddreg [dreg:$0x0]  }
0x2: {  	s0 =	stileid.u32;
	s6 =	rddreg [dreg:$0x1]  }
0x3: {  	s3 =	simm.s32 $0x0;
	s9 =	simm.s32 $0x32;
	s10 =	simm.s32 $0x10000  }
0x4: {  	s11 =	simm.s32 $0x80;
	s12 =	simm.s32 $0x11C00;
	s13 =	simm.s32 $0x100  }
0x5: {  	s14 =	simm.s32 $0x13800;
	s15 =	simm.s32 $0x180;
	s16 =	simm.s32 $0x15400  }
0x6: {  	s17 =	simm.s32 $0x1;
	s18 =	simm.s32 $0x2;
	s19 =	simm.s32 $0x3  }
0x7: {  	s20 =	simm.s32 $0x4;
	s21 =	simm.s32 $0x0;
	s5 =	sand.u32 $0x1, s1  }
0x8: {  	s4 =	sshll.u32 s0, $0xA;
	s1 =	rddreg [dreg:$0x2];
	s7 =	sshll.u32 s5, $0x9  }
0x9: {  	[smem:$0x7FF] =	sst s3;
	s5 =	ssub.s32 $0x2, s5;
	s4 =	sor.u32 s7, s4  }
0xa: {  	_ =	strace $0x80000047;
	s8 =	sshrl.u32 s5, $0x1;
	s7 =	sshll.u32 s4, $0x4  }
0xb: {  	s8 =	ssub.s32 s5, s8;
	s7 =	sadd.s32 s7, s6;
	s6 =	sadd.s32 $0x40E10, s6  }
0xc: {  	s5 =	sadd.s32 $0x1200, s7;
	s7 =	smax.u32 s8, $0x1;
	s8 =	simm.s32 $0x5  }
.LBB2_1:
0xd: {  	[tilespmem:s3], [sflag:$0x5] =	stream.linear.gather [hbm4b:s5+s3], $0x10000, $0x38;
	[tilespmem:$0x19000] =	vst v63  }
0xe: {  	_ =	swait.ge [sflag:s8], $0x10000  }
0xf: {  	[sflag:s8] =	ssyncset.done $0x0  }
0x10: {  	[sflag:s8] =	ssyncadd.s32 $0xFFFF0000  }
0x11: {  	[tilespmem:s10], [sflag:$0x1] =	stream.indirect.gather [hbm4b:s2+s9], $0x80, s3, s9, $0xb8;
	[tilespmem:$0x19000] =	vst v63  }
0x12: {  	_ = 	snop  }
0x13: {  	[tilespmem:s12], [sflag:$0x2] =	stream.indirect.gather [hbm4b:s2+s9], $0x80, s11, s9, $0xb8;
	[tilespmem:$0x19000] =	vst v63  }
0x14: {  	_ = 	snop  }
0x15: {  	[tilespmem:s14], [sflag:$0x3] =	stream.indirect.gather [hbm4b:s2+s9], $0x80, s13, s9, $0xb8;
	[tilespmem:$0x19000] =	vst v63  }
0x16: {  	s22 =	simm.s32 $0x0  }
0x17: {  	[tilespmem:s16], [sflag:$0x4] =	stream.indirect.gather [hbm4b:s2+s9], $0x80, s15, s9, $0xb8;
	[tilespmem:$0x19000] =	vst v63  }
.LBB2_2:
0x18: {  	_ =	swait.ge [sflag:s17], $0x1900  }
0x19: {  	[sflag:s17] =	ssyncset.done $0x0  }
0x1a: {  	s24 =	simm.s32 $0x10080;
	[sflag:s17] =	ssyncadd.s32 $0xFFFFE700  }
0x1b: {  	v0 =	vld [tilespmem:s24+$0x0]  }
0x1c: {  	v1 =	vld [tilespmem:s24+$0x10]  }
0x1d: {  	v2 =	vld [tilespmem:s24+$0x20]  }
0x1e: {  	v3 =	vld [tilespmem:s24+$0x30]  }
0x1f: {  	v4 =	vld [tilespmem:s24+$0x40]  }
0x20: {  	v5 =	vld [tilespmem:s24+$0x50]  }
0x21: {  	v6 =	vld [tilespmem:s24+$0xFFFFFF80]  }
0x22: {  	v8 =	vld [tilespmem:s24+$0xFFFFFF90]  }
0x23: {  	v13 =	vld [tilespmem:s24+$0xFFFFFFA0]  }
0x24: {  	v14 =	vld [tilespmem:s24+$0xFFFFFFB0]  }
0x25: {  	v15 =	vld [tilespmem:s24+$0xFFFFFFC0];
	v11 =	vmul.f32 v0, v0  }
0x26: {  	v10 =	vmul.f32 v1, v1;
	v9 =	vmul.f32 v2, v2  }
0x27: {  	v7 =	vmul.f32 v3, v3;
	v0 =	vmul.f32 v4, v4  }
0x28: {  	v12 =	vld [tilespmem:s24+$0xFFFFFFD0];
	v2 =	vmul.f32 v6, v6;
	v3 =	vmul.f32 v8, v8  }
0x29: {  	v16 =	vld [tilespmem:s24+$0xFFFFFFE0];
	v4 =	vimm.f32 $0.0e+00;
	v1 =	vmul.f32 v5, v5;
	v20 =	vmul.f32 v13, v13  }
0x2a: {  	v13 =	vld [tilespmem:s24+$0xFFFFFFF0];
	v19 =	vmul.f32 v14, v14;
	v17 =	vmul.f32 v15, v15;
	v8 =	vimm.f32 $0.0e+00  }
0x2b: {  	v14 =	vld [tilespmem:s24+$0x60];
	v5 =	vimm.f32 $0.0e+00;
	v6 =	vimm.f32 $0.0e+00;
	v21 =	vadd.f32 v2, v4  }
0x2c: {  	s23 =	simm.s32 $0x0;
	v15 =	vld [tilespmem:s24+$0x70];
	s24 =	simm.s32 $0x10180;
	v18 =	vadd.f32 v3, v4;
	v3 =	vimm.f32 $0.0e+00;
	v2 =	vimm.f32 $0.0e+00  }
.LBB2_3:
0x2d: {  	v22 =	vld [tilespmem:s24+$0x0];
	v4 =	vadd.f32 v20, v4;
	v8 =	vadd.f32 v19, v8;
	v12 =	vmul.f32 v12, v12  }
0x2e: {  	v19 =	vld [tilespmem:s24+$0x10];
	v16 =	vmul.f32 v16, v16;
	v21 =	vadd.f32 v11, v21;
	v18 =	vadd.f32 v10, v18  }
0x2f: {  	v20 =	vld [tilespmem:s24+$0x20];
	v10 =	vmul.f32 v13, v13;
	v4 =	vadd.f32 v9, v4;
	v8 =	vadd.f32 v7, v8  }
0x30: {  	v5 =	vadd.f32 v17, v5;
	v6 =	vadd.f32 v12, v6;
	v7 =	vld [tilespmem:s24+$0x30];
	v9 =	vmul.f32 v14, v14  }
0x31: {  	v3 =	vadd.f32 v16, v3;
	v13 =	vld [tilespmem:s24+$0x40];
	v2 =	vadd.f32 v10, v2;
	v10 =	vmul.f32 v15, v15  }
0x32: {  	v5 =	vadd.f32 v0, v5;
	v6 =	vadd.f32 v1, v6;
	v14 =	vld [tilespmem:s24+$0x50]  }
0x33: {  	v3 =	vadd.f32 v9, v3;
	v15 =	vld [tilespmem:s24+$0xFFFFFF80];
	v2 =	vadd.f32 v10, v2  }
0x34: {  	v17 =	vld [tilespmem:s24+$0xFFFFFF90]  }
0x35: {  	v23 =	vld [tilespmem:s24+$0xFFFFFFA0]  }
0x36: {  	s23 =	sadd.s32 $0x2, s23;
	v24 =	vld [tilespmem:s24+$0xFFFFFFB0]  }
0x37: {  	p0 =	slt.u32 s23, $0x30;
	v11 =	vmul.f32 v22, v22;
	v10 =	vmul.f32 v19, v19;
	v25 =	vld [tilespmem:s24+$0xFFFFFFC0]  }
.Ltmp0:
0x38: {  	v9 =	vmul.f32 v20, v20;
	v7 =	vmul.f32 v7, v7;
	v12 =	vld [tilespmem:s24+$0xFFFFFFD0];
	(pc) =	sbr.rel @p0 .LBB2_3-.Ltmp0, $4  }
0x39: {  	v0 =	vmul.f32 v13, v13;
	v1 =	vmul.f32 v14, v14;
	v16 =	vld [tilespmem:s24+$0xFFFFFFE0]  }
0x3a: {  	v15 =	vmul.f32 v15, v15;
	v17 =	vmul.f32 v17, v17;
	v13 =	vld [tilespmem:s24+$0xFFFFFFF0]  }
0x3b: {  	v20 =	vmul.f32 v23, v23;
	v19 =	vmul.f32 v24, v24;
	v14 =	vld [tilespmem:s24+$0x60]  }
0x3c: {  	v21 =	vadd.f32 v15, v21;
	v18 =	vadd.f32 v17, v18;
	v17 =	vmul.f32 v25, v25;
	v15 =	vld [tilespmem:s24+$0x70];
	s24 =	sadd.s32 $0x100, s24  }
0x3d: {  	_ = 	snop  }
0x3e: {  	v4 =	vadd.f32 v20, v4;
	s23 =	sshll.u32 s22, $0x9;
	v11 =	vadd.f32 v11, v21  }
0x3f: {  	v8 =	vadd.f32 v19, v8;
	v12 =	vmul.f32 v12, v12;
	v10 =	vadd.f32 v10, v18;
	s25 =	sand.u32 $0x1E00, s23  }
0x40: {  	v16 =	vmul.f32 v16, v16;
	v5 =	vadd.f32 v17, v5;
	v4 =	vadd.f32 v9, v4;
	[tilespmem:s25+$0x17000] =	vst v11  }
0x41: {  	v9 =	vmul.f32 v13, v13;
	v7 =	vadd.f32 v7, v8;
	v6 =	vadd.f32 v12, v6;
	[tilespmem:s25+$0x17010] =	vst v10  }
0x42: {  	v8 =	vmul.f32 v14, v14;
	v3 =	vadd.f32 v16, v3;
	v0 =	vadd.f32 v0, v5;
	[tilespmem:s25+$0x17020] =	vst v4  }
0x43: {  	v2 =	vadd.f32 v9, v2;
	v4 =	vmul.f32 v15, v15;
	v1 =	vadd.f32 v1, v6;
	[tilespmem:s25+$0x17030] =	vst v7  }
0x44: {  	p0 =	seq.s32 s22, $0x7F;
	v3 =	vadd.f32 v8, v3;
	[tilespmem:s25+$0x17040] =	vst v0  }
0x45: {  	s23 =	sshll.u32 @!p0 s22, $0x9;
	v0 =	vadd.f32 v4, v2;
	[tilespmem:s25+$0x17050] =	vst v1  }
0x46: {  	s23 =	sand.u32 @!p0 $0x3FFFFE00, s23;
	[tilespmem:s25+$0x17060] =	vst v3  }
0x47: {  	s26 =	simm.s32 @!p0 $0x32;
	s28 =	simm.s32 @!p0 $0x10000;
	s24 =	sadd.s32 @!p0 $0x200, s23;
	[tilespmem:s25+$0x17070] =	vst v0  }
0x48: {  	[tilespmem:s28], [sflag:$0x1] =	stream.indirect.gather @!p0 [hbm4b:s2+s26], $0x80, s24, s26, $0xb8;
	[tilespmem:$0x19000] =	vst v63  }
0x49: {  	_ =	swait.ge [sflag:s18], $0x1900  }
0x4a: {  	[sflag:s18] =	ssyncset.done $0x0  }
0x4b: {  	s28 =	simm.s32 $0x11C80;
	[sflag:s18] =	ssyncadd.s32 $0xFFFFE700  }
0x4c: {  	v0 =	vld [tilespmem:s28+$0x0]  }
0x4d: {  	v1 =	vld [tilespmem:s28+$0x10]  }
0x4e: {  	v2 =	vld [tilespmem:s28+$0x20]  }
0x4f: {  	v3 =	vld [tilespmem:s28+$0x30]  }
0x50: {  	v4 =	vld [tilespmem:s28+$0x40]  }
0x51: {  	v5 =	vld [tilespmem:s28+$0x50]  }
0x52: {  	v6 =	vld [tilespmem:s28+$0xFFFFFF80]  }
0x53: {  	v8 =	vld [tilespmem:s28+$0xFFFFFF90]  }
0x54: {  	v13 =	vld [tilespmem:s28+$0xFFFFFFA0]  }
0x55: {  	v14 =	vld [tilespmem:s28+$0xFFFFFFB0]  }
0x56: {  	v16 =	vld [tilespmem:s28+$0xFFFFFFC0];
	v11 =	vmul.f32 v0, v0  }
0x57: {  	v10 =	vmul.f32 v1, v1;
	v9 =	vmul.f32 v2, v2  }
0x58: {  	v7 =	vmul.f32 v3, v3;
	v0 =	vmul.f32 v4, v4  }
0x59: {  	v12 =	vld [tilespmem:s28+$0xFFFFFFD0];
	v2 =	vmul.f32 v6, v6;
	v4 =	vmul.f32 v8, v8  }
0x5a: {  	v15 =	vld [tilespmem:s28+$0xFFFFFFE0];
	v3 =	vimm.f32 $0.0e+00;
	v1 =	vmul.f32 v5, v5;
	v19 =	vmul.f32 v13, v13  }
0x5b: {  	v13 =	vld [tilespmem:s28+$0xFFFFFFF0];
	v20 =	vmul.f32 v14, v14;
	v17 =	vmul.f32 v16, v16;
	v8 =	vimm.f32 $0.0e+00  }
0x5c: {  	v14 =	vld [tilespmem:s28+$0x60];
	v5 =	vimm.f32 $0.0e+00;
	v6 =	vimm.f32 $0.0e+00;
	v21 =	vadd.f32 v2, v3  }
0x5d: {  	s24 =	sshll.u32 s22, $0x2;
	s26 =	simm.s32 $0x0;
	v16 =	vld [tilespmem:s28+$0x70];
	s28 =	simm.s32 $0x11D80;
	v18 =	vadd.f32 v4, v3;
	v4 =	vimm.f32 $0.0e+00;
	v2 =	vimm.f32 $0.0e+00  }
.LBB2_5:
0x5e: {  	v22 =	vld [tilespmem:s28+$0x0];
	v3 =	vadd.f32 v19, v3;
	v8 =	vadd.f32 v20, v8;
	v12 =	vmul.f32 v12, v12  }
0x5f: {  	v19 =	vld [tilespmem:s28+$0x10];
	v15 =	vmul.f32 v15, v15;
	v21 =	vadd.f32 v11, v21;
	v18 =	vadd.f32 v10, v18  }
0x60: {  	v20 =	vld [tilespmem:s28+$0x20];
	v10 =	vmul.f32 v13, v13;
	v3 =	vadd.f32 v9, v3;
	v8 =	vadd.f32 v7, v8  }
0x61: {  	v5 =	vadd.f32 v17, v5;
	v6 =	vadd.f32 v12, v6;
	v7 =	vld [tilespmem:s28+$0x30];
	v9 =	vmul.f32 v14, v14  }
0x62: {  	v4 =	vadd.f32 v15, v4;
	v13 =	vld [tilespmem:s28+$0x40];
	v2 =	vadd.f32 v10, v2;
	v10 =	vmul.f32 v16, v16  }
0x63: {  	v5 =	vadd.f32 v0, v5;
	v6 =	vadd.f32 v1, v6;
	v14 =	vld [tilespmem:s28+$0x50]  }
0x64: {  	v4 =	vadd.f32 v9, v4;
	v16 =	vld [tilespmem:s28+$0xFFFFFF80];
	v2 =	vadd.f32 v10, v2  }
0x65: {  	v17 =	vld [tilespmem:s28+$0xFFFFFF90]  }
0x66: {  	v23 =	vld [tilespmem:s28+$0xFFFFFFA0]  }
0x67: {  	s26 =	sadd.s32 $0x2, s26;
	v24 =	vld [tilespmem:s28+$0xFFFFFFB0]  }
0x68: {  	p1 =	slt.u32 s26, $0x30;
	v11 =	vmul.f32 v22, v22;
	v10 =	vmul.f32 v19, v19;
	v25 =	vld [tilespmem:s28+$0xFFFFFFC0]  }
.Ltmp1:
0x69: {  	v9 =	vmul.f32 v20, v20;
	v7 =	vmul.f32 v7, v7;
	v12 =	vld [tilespmem:s28+$0xFFFFFFD0];
	(pc) =	sbr.rel @p1 .LBB2_5-.Ltmp1, $4  }
0x6a: {  	v0 =	vmul.f32 v13, v13;
	v1 =	vmul.f32 v14, v14;
	v15 =	vld [tilespmem:s28+$0xFFFFFFE0]  }
0x6b: {  	v16 =	vmul.f32 v16, v16;
	v17 =	vmul.f32 v17, v17;
	v13 =	vld [tilespmem:s28+$0xFFFFFFF0]  }
0x6c: {  	v19 =	vmul.f32 v23, v23;
	v20 =	vmul.f32 v24, v24;
	v14 =	vld [tilespmem:s28+$0x60]  }
0x6d: {  	v21 =	vadd.f32 v16, v21;
	v18 =	vadd.f32 v17, v18;
	v17 =	vmul.f32 v25, v25;
	v16 =	vld [tilespmem:s28+$0x70];
	s28 =	sadd.s32 $0x100, s28  }
0x6e: {  	_ = 	snop  }
0x6f: {  	v3 =	vadd.f32 v19, v3;
	v11 =	vadd.f32 v11, v21  }
0x70: {  	v8 =	vadd.f32 v20, v8;
	v12 =	vmul.f32 v12, v12;
	v10 =	vadd.f32 v10, v18  }
0x71: {  	v15 =	vmul.f32 v15, v15;
	v5 =	vadd.f32 v17, v5;
	v3 =	vadd.f32 v9, v3;
	[tilespmem:s25+$0x17080] =	vst v11  }
0x72: {  	v9 =	vmul.f32 v13, v13;
	v7 =	vadd.f32 v7, v8;
	v6 =	vadd.f32 v12, v6;
	[tilespmem:s25+$0x17090] =	vst v10  }
0x73: {  	v8 =	vmul.f32 v14, v14;
	v4 =	vadd.f32 v15, v4;
	v0 =	vadd.f32 v0, v5;
	[tilespmem:s25+$0x170A0] =	vst v3  }
0x74: {  	v2 =	vadd.f32 v9, v2;
	v3 =	vmul.f32 v16, v16;
	v1 =	vadd.f32 v1, v6;
	[tilespmem:s25+$0x170B0] =	vst v7  }
0x75: {  	v4 =	vadd.f32 v8, v4;
	[tilespmem:s25+$0x170C0] =	vst v0  }
0x76: {  	v0 =	vadd.f32 v3, v2;
	[tilespmem:s25+$0x170D0] =	vst v1  }
0x77: {  	[tilespmem:s25+$0x170E0] =	vst v4  }
0x78: {  	s26 =	sadd.s32 @!p0 $0x280, s23;
	s28 =	simm.s32 @!p0 $0x32;
	s29 =	simm.s32 @!p0 $0x11C00;
	[tilespmem:s25+$0x170F0] =	vst v0  }
0x79: {  	[tilespmem:s29], [sflag:$0x2] =	stream.indirect.gather @!p0 [hbm4b:s2+s28], $0x80, s26, s28, $0xb8;
	[tilespmem:$0x19000] =	vst v63  }
0x7a: {  	_ =	swait.ge [sflag:s19], $0x1900  }
0x7b: {  	[sflag:s19] =	ssyncset.done $0x0  }
0x7c: {  	s28 =	simm.s32 $0x13880;
	[sflag:s19] =	ssyncadd.s32 $0xFFFFE700  }
0x7d: {  	v0 =	vld [tilespmem:s28+$0x0]  }
0x7e: {  	v1 =	vld [tilespmem:s28+$0x10]  }
0x7f: {  	v2 =	vld [tilespmem:s28+$0x20]  }
0x80: {  	v3 =	vld [tilespmem:s28+$0x30]  }
0x81: {  	v4 =	vld [tilespmem:s28+$0x40]  }
0x82: {  	v5 =	vld [tilespmem:s28+$0x50]  }
0x83: {  	v6 =	vld [tilespmem:s28+$0xFFFFFF80]  }
0x84: {  	v8 =	vld [tilespmem:s28+$0xFFFFFF90]  }
0x85: {  	v13 =	vld [tilespmem:s28+$0xFFFFFFA0]  }
0x86: {  	v14 =	vld [tilespmem:s28+$0xFFFFFFB0]  }
0x87: {  	v15 =	vld [tilespmem:s28+$0xFFFFFFC0];
	v11 =	vmul.f32 v0, v0  }
0x88: {  	v10 =	vmul.f32 v1, v1;
	v9 =	vmul.f32 v2, v2  }
0x89: {  	v7 =	vmul.f32 v3, v3;
	v0 =	vmul.f32 v4, v4  }
0x8a: {  	v12 =	vld [tilespmem:s28+$0xFFFFFFD0];
	v2 =	vmul.f32 v6, v6;
	v4 =	vmul.f32 v8, v8  }
0x8b: {  	v16 =	vld [tilespmem:s28+$0xFFFFFFE0];
	v3 =	vimm.f32 $0.0e+00;
	v1 =	vmul.f32 v5, v5;
	v19 =	vmul.f32 v13, v13  }
0x8c: {  	v13 =	vld [tilespmem:s28+$0xFFFFFFF0];
	v20 =	vmul.f32 v14, v14;
	v17 =	vmul.f32 v15, v15;
	v8 =	vimm.f32 $0.0e+00  }
0x8d: {  	v14 =	vld [tilespmem:s28+$0x60];
	v5 =	vimm.f32 $0.0e+00;
	v6 =	vimm.f32 $0.0e+00;
	v21 =	vadd.f32 v2, v3  }
0x8e: {  	s26 =	simm.s32 $0x0;
	v15 =	vld [tilespmem:s28+$0x70];
	s28 =	simm.s32 $0x13980;
	v18 =	vadd.f32 v4, v3;
	v4 =	vimm.f32 $0.0e+00;
	v2 =	vimm.f32 $0.0e+00  }
.LBB2_7:
0x8f: {  	v22 =	vld [tilespmem:s28+$0x0];
	v3 =	vadd.f32 v19, v3;
	v8 =	vadd.f32 v20, v8;
	v12 =	vmul.f32 v12, v12  }
0x90: {  	v19 =	vld [tilespmem:s28+$0x10];
	v16 =	vmul.f32 v16, v16;
	v21 =	vadd.f32 v11, v21;
	v18 =	vadd.f32 v10, v18  }
0x91: {  	v20 =	vld [tilespmem:s28+$0x20];
	v10 =	vmul.f32 v13, v13;
	v3 =	vadd.f32 v9, v3;
	v8 =	vadd.f32 v7, v8  }
0x92: {  	v5 =	vadd.f32 v17, v5;
	v6 =	vadd.f32 v12, v6;
	v7 =	vld [tilespmem:s28+$0x30];
	v9 =	vmul.f32 v14, v14  }
0x93: {  	v4 =	vadd.f32 v16, v4;
	v13 =	vld [tilespmem:s28+$0x40];
	v2 =	vadd.f32 v10, v2;
	v10 =	vmul.f32 v15, v15  }
0x94: {  	v5 =	vadd.f32 v0, v5;
	v6 =	vadd.f32 v1, v6;
	v14 =	vld [tilespmem:s28+$0x50]  }
0x95: {  	v4 =	vadd.f32 v9, v4;
	v15 =	vld [tilespmem:s28+$0xFFFFFF80];
	v2 =	vadd.f32 v10, v2  }
0x96: {  	v17 =	vld [tilespmem:s28+$0xFFFFFF90]  }
0x97: {  	v23 =	vld [tilespmem:s28+$0xFFFFFFA0]  }
0x98: {  	s26 =	sadd.s32 $0x2, s26;
	v24 =	vld [tilespmem:s28+$0xFFFFFFB0]  }
0x99: {  	p1 =	slt.u32 s26, $0x30;
	v11 =	vmul.f32 v22, v22;
	v10 =	vmul.f32 v19, v19;
	v25 =	vld [tilespmem:s28+$0xFFFFFFC0]  }
.Ltmp2:
0x9a: {  	v9 =	vmul.f32 v20, v20;
	v7 =	vmul.f32 v7, v7;
	v12 =	vld [tilespmem:s28+$0xFFFFFFD0];
	(pc) =	sbr.rel @p1 .LBB2_7-.Ltmp2, $4  }
0x9b: {  	v0 =	vmul.f32 v13, v13;
	v1 =	vmul.f32 v14, v14;
	v16 =	vld [tilespmem:s28+$0xFFFFFFE0]  }
0x9c: {  	v15 =	vmul.f32 v15, v15;
	v17 =	vmul.f32 v17, v17;
	v13 =	vld [tilespmem:s28+$0xFFFFFFF0]  }
0x9d: {  	v19 =	vmul.f32 v23, v23;
	v20 =	vmul.f32 v24, v24;
	v14 =	vld [tilespmem:s28+$0x60]  }
0x9e: {  	v21 =	vadd.f32 v15, v21;
	v18 =	vadd.f32 v17, v18;
	v17 =	vmul.f32 v25, v25;
	v15 =	vld [tilespmem:s28+$0x70];
	s28 =	sadd.s32 $0x100, s28  }
0x9f: {  	_ = 	snop  }
0xa0: {  	v3 =	vadd.f32 v19, v3;
	v11 =	vadd.f32 v11, v21  }
0xa1: {  	v8 =	vadd.f32 v20, v8;
	v12 =	vmul.f32 v12, v12;
	v10 =	vadd.f32 v10, v18  }
0xa2: {  	v16 =	vmul.f32 v16, v16;
	v5 =	vadd.f32 v17, v5;
	v3 =	vadd.f32 v9, v3;
	[tilespmem:s25+$0x17100] =	vst v11  }
0xa3: {  	v9 =	vmul.f32 v13, v13;
	v7 =	vadd.f32 v7, v8;
	v6 =	vadd.f32 v12, v6;
	[tilespmem:s25+$0x17110] =	vst v10  }
0xa4: {  	v8 =	vmul.f32 v14, v14;
	v4 =	vadd.f32 v16, v4;
	v0 =	vadd.f32 v0, v5;
	[tilespmem:s25+$0x17120] =	vst v3  }
0xa5: {  	v2 =	vadd.f32 v9, v2;
	v3 =	vmul.f32 v15, v15;
	v1 =	vadd.f32 v1, v6;
	[tilespmem:s25+$0x17130] =	vst v7  }
0xa6: {  	v4 =	vadd.f32 v8, v4;
	[tilespmem:s25+$0x17140] =	vst v0  }
0xa7: {  	v0 =	vadd.f32 v3, v2;
	[tilespmem:s25+$0x17150] =	vst v1  }
0xa8: {  	[tilespmem:s25+$0x17160] =	vst v4  }
0xa9: {  	s26 =	simm.s32 @!p0 $0x32;
	s28 =	simm.s32 @!p0 $0x13800;
	[tilespmem:s25+$0x17170] =	vst v0;
	s25 =	sadd.s32 @!p0 $0x300, s23  }
0xaa: {  	[tilespmem:s28], [sflag:$0x3] =	stream.indirect.gather @!p0 [hbm4b:s2+s26], $0x80, s25, s26, $0xb8;
	[tilespmem:$0x19000] =	vst v63  }
0xab: {  	_ =	swait.ge [sflag:s20], $0x1900  }
0xac: {  	[sflag:s20] =	ssyncset.done $0x0  }
0xad: {  	s31 =	simm.s32 $0x15480;
	[sflag:s20] =	ssyncadd.s32 $0xFFFFE700  }
0xae: {  	v0 =	vld [tilespmem:s31+$0x0]  }
0xaf: {  	v1 =	vld [tilespmem:s31+$0x10]  }
0xb0: {  	v2 =	vld [tilespmem:s31+$0x20]  }
0xb1: {  	v3 =	vld [tilespmem:s31+$0x30]  }
0xb2: {  	v4 =	vld [tilespmem:s31+$0x40]  }
0xb3: {  	v5 =	vld [tilespmem:s31+$0x50]  }
0xb4: {  	v6 =	vld [tilespmem:s31+$0xFFFFFF80]  }
0xb5: {  	v8 =	vld [tilespmem:s31+$0xFFFFFF90]  }
0xb6: {  	v13 =	vld [tilespmem:s31+$0xFFFFFFA0]  }
0xb7: {  	v14 =	vld [tilespmem:s31+$0xFFFFFFB0]  }
0xb8: {  	v15 =	vld [tilespmem:s31+$0xFFFFFFC0];
	v11 =	vmul.f32 v0, v0  }
0xb9: {  	v10 =	vmul.f32 v1, v1;
	v9 =	vmul.f32 v2, v2  }
0xba: {  	v7 =	vmul.f32 v3, v3;
	v0 =	vmul.f32 v4, v4  }
0xbb: {  	v12 =	vld [tilespmem:s31+$0xFFFFFFD0];
	v2 =	vmul.f32 v6, v6;
	v3 =	vmul.f32 v8, v8  }
0xbc: {  	v16 =	vld [tilespmem:s31+$0xFFFFFFE0];
	v4 =	vimm.f32 $0.0e+00;
	v1 =	vmul.f32 v5, v5;
	v20 =	vmul.f32 v13, v13  }
0xbd: {  	v13 =	vld [tilespmem:s31+$0xFFFFFFF0];
	v19 =	vmul.f32 v14, v14;
	v17 =	vmul.f32 v15, v15;
	v8 =	vimm.f32 $0.0e+00  }
0xbe: {  	v14 =	vld [tilespmem:s31+$0x60];
	v5 =	vimm.f32 $0.0e+00;
	v6 =	vimm.f32 $0.0e+00;
	v21 =	vadd.f32 v2, v4  }
0xbf: {  	s25 =	simm.s32 $0x0;
	s26 =	simm.s32 $0x15580;
	v15 =	vld [tilespmem:s31+$0x70];
	v18 =	vadd.f32 v3, v4;
	v3 =	vimm.f32 $0.0e+00;
	v2 =	vimm.f32 $0.0e+00  }
.LBB2_9:
0xc0: {  	v22 =	vld [tilespmem:s26+$0x0];
	v4 =	vadd.f32 v20, v4;
	v8 =	vadd.f32 v19, v8;
	v12 =	vmul.f32 v12, v12  }
0xc1: {  	v19 =	vld [tilespmem:s26+$0x10];
	v16 =	vmul.f32 v16, v16;
	v21 =	vadd.f32 v11, v21;
	v18 =	vadd.f32 v10, v18  }
0xc2: {  	v20 =	vld [tilespmem:s26+$0x20];
	v10 =	vmul.f32 v13, v13;
	v4 =	vadd.f32 v9, v4;
	v8 =	vadd.f32 v7, v8  }
0xc3: {  	v5 =	vadd.f32 v17, v5;
	v6 =	vadd.f32 v12, v6;
	v7 =	vld [tilespmem:s26+$0x30];
	v9 =	vmul.f32 v14, v14  }
0xc4: {  	v3 =	vadd.f32 v16, v3;
	v13 =	vld [tilespmem:s26+$0x40];
	v2 =	vadd.f32 v10, v2;
	v10 =	vmul.f32 v15, v15  }
0xc5: {  	v5 =	vadd.f32 v0, v5;
	v6 =	vadd.f32 v1, v6;
	v14 =	vld [tilespmem:s26+$0x50]  }
0xc6: {  	v3 =	vadd.f32 v9, v3;
	v15 =	vld [tilespmem:s26+$0xFFFFFF80];
	v2 =	vadd.f32 v10, v2  }
0xc7: {  	v17 =	vld [tilespmem:s26+$0xFFFFFF90]  }
0xc8: {  	v23 =	vld [tilespmem:s26+$0xFFFFFFA0]  }
0xc9: {  	s25 =	sadd.s32 $0x2, s25;
	v24 =	vld [tilespmem:s26+$0xFFFFFFB0]  }
0xca: {  	p1 =	slt.u32 s25, $0x30;
	v11 =	vmul.f32 v22, v22;
	v10 =	vmul.f32 v19, v19;
	v25 =	vld [tilespmem:s26+$0xFFFFFFC0]  }
.Ltmp3:
0xcb: {  	v9 =	vmul.f32 v20, v20;
	v7 =	vmul.f32 v7, v7;
	v12 =	vld [tilespmem:s26+$0xFFFFFFD0];
	(pc) =	sbr.rel @p1 .LBB2_9-.Ltmp3, $4  }
0xcc: {  	v0 =	vmul.f32 v13, v13;
	v1 =	vmul.f32 v14, v14;
	v16 =	vld [tilespmem:s26+$0xFFFFFFE0]  }
0xcd: {  	v15 =	vmul.f32 v15, v15;
	v17 =	vmul.f32 v17, v17;
	v13 =	vld [tilespmem:s26+$0xFFFFFFF0]  }
0xce: {  	v20 =	vmul.f32 v23, v23;
	v19 =	vmul.f32 v24, v24;
	v14 =	vld [tilespmem:s26+$0x60]  }
0xcf: {  	v21 =	vadd.f32 v15, v21;
	v18 =	vadd.f32 v17, v18;
	v17 =	vmul.f32 v25, v25;
	v15 =	vld [tilespmem:s26+$0x70];
	s26 =	sadd.s32 $0x100, s26  }
0xd0: {  	s24 =	sor.u32 $0x3, s24  }
0xd1: {  	v4 =	vadd.f32 v20, v4;
	v11 =	vadd.f32 v11, v21;
	s25 =	sand.u32 $0x3F, s24  }
0xd2: {  	v8 =	vadd.f32 v19, v8;
	v12 =	vmul.f32 v12, v12;
	v10 =	vadd.f32 v10, v18;
	s26 =	sshll.u32 s25, $0x7  }
0xd3: {  	v16 =	vmul.f32 v16, v16;
	v5 =	vadd.f32 v17, v5;
	v4 =	vadd.f32 v9, v4;
	[tilespmem:s26+$0x17000] =	vst v11  }
0xd4: {  	v60 =	vmul.f32 v13, v13;
	v7 =	vadd.f32 v7, v8;
	v6 =	vadd.f32 v12, v6;
	[tilespmem:s26+$0x17010] =	vst v10  }
0xd5: {  	v61 =	vmul.f32 v14, v14;
	v3 =	vadd.f32 v16, v3;
	v0 =	vadd.f32 v0, v5;
	[tilespmem:s26+$0x17020] =	vst v4  }
0xd6: {  	v2 =	vadd.f32 v60, v2;
	v62 =	vmul.f32 v15, v15;
	v1 =	vadd.f32 v1, v6;
	[tilespmem:s26+$0x17030] =	vst v7  }
0xd7: {  	v3 =	vadd.f32 v61, v3;
	[tilespmem:s26+$0x17040] =	vst v0  }
0xd8: {  	v63 =	vadd.f32 v62, v2;
	[tilespmem:s26+$0x17050] =	vst v1  }
0xd9: {  	[tilespmem:s26+$0x17060] =	vst v3  }
0xda: {  	s23 =	sadd.s32 @!p0 $0x380, s23;
	s28 =	simm.s32 @!p0 $0x15400;
	[tilespmem:s26+$0x17070] =	vst v63;
	s26 =	simm.s32 @!p0 $0x32  }
0xdb: {  	[tilespmem:s28], [sflag:$0x4] =	stream.indirect.gather @!p0 [hbm4b:s2+s26], $0x80, s23, s26, $0xb8;
	[tilespmem:$0x19000] =	vst v63  }
0xdc: {  	p0 =	sne.s32 s25, $0x3F  }
0xdd: {  	s22 =	sadd.s32 $0x1, s22;
	s23 =	sadd.s32 @!p0 s4, s24  }
0xde: {  	p1 =	sne.s32 s22, $0x80;
	s23 =	sshll.u32 @!p0 s23, $0x4  }
0xdf: {  	s24 =	simm.s32 @!p0 $0x0;
	s25 =	simm.s32 @!p0 $0x17000;
	s23 =	sadd.s32 @!p0 s23, s6  }
0xe0: {  	[hbm4b:s23+s24] =	stream.linear.scatter @!p0 [tilespmem:s25], [sflag:$0x5], $0x2000, $0x38;
	[tilespmem:$0x19000] =	vst v63  }
.Ltmp4:
0xe1: {  	_ = 	snop;
	(pc) =	sbr.rel @p1 .LBB2_2-.Ltmp4, $4  }
0xe2: {  	s23 =	simm.s32 @!p0 $0x5  }
0xe3: {  	_ =	swait.ge @!p0 [sflag:s23], $0x2000  }
0xe4: {  	[sflag:s23] =	ssyncset.done @!p0 $0x0  }
0xe5: {  	[sflag:s23] =	ssyncadd.s32 @!p0 $0xFFFFE000  }
0xe6: {  	s21 =	sadd.s32 $0x1, s21  }
0xe7: {  	p0 =	sne.s32 s21, s7  }
.Ltmp5:
0xe8: {  	_ = 	snop;
	(pc) =	sbr.rel @p0 .LBB2_1-.Ltmp5, $1  }
0xe9: {  	_ =	sdelay $0x3  }
0xea: {  	_ =	sfence.sel $0x180000  }
0xeb: {  	[bflag:$0x0] =	sbarrier.arrive $0xFFFF  }
0xec: {  	p0 =	sne.s32 s0, $0x0;
	_ =	strace $0x90000047  }
0xed: {  	s0 =	sadd.s32 @!p0 $0x100000, s1;
	[bflag:$0x2] =	sbarrier.arrive $0xFFFF  }
0xee: {  	[sflag:s0] =	ssyncadd.tile.s32 @!p0 $0x1;
	_ =	shalt  }
.Lfunc_end2:
_tile_overlayer_lowered:
.L_overlay_start_2:
0xef: {  	(tag) =	ssettag $0x2  }
0xf0: {  	s0 =	rddreg [dreg:$0x0];
	s2 =	stileid.u32  }
0xf1: {  	s1 =	rddreg [dreg:$0x1];
	p0 =	sne.s32 s2, $0x0  }
0xf2: {  	s3 =	rddreg [dreg:$0x2];
	[bflag:$0x3] =	sbarrier.arrive $0xFFFF;
	s2 =	simm.s32 @!p0 $0x1C05  }
0xf3: {  	[timem:s3], [sflag:s2] =	dma.local @!p0 [hbm:s0], s1  }
0xf4: {  	s0 =	simm.s32 @!p0 $0x5  }
0xf5: {  	_ =	swait.ge @!p0 [sflag:s0], s1  }
0xf6: {  	s1 =	ssub.s32 @!p0 $0x0, s1;
	[sflag:s0] =	ssyncset.done @!p0 $0x0  }
0xf7: {  	[sflag:s0] =	ssyncadd.s32 @!p0 s1  }
0xf8: {  	[bflag:$0x3] =	sbarrier.arrive $0xFFFF  }
0xf9: {  	_ =	shalt  }

</sc_bundles>
